<compile_context>
chip_gen: v7x
topology: tpu7x:2x2x1
jax: 0.10.2.dev20260603
libtpu: 0.0.44.dev20260713+nightly
codegen_flags: <defaults>
</compile_context>

<pallas_src>
import functools

import jax
import jax.numpy as jnp
from jax import lax
from jax.experimental import pallas as pl
from jax.experimental.pallas import tpu as pltpu
from jax.experimental.pallas import tpu_sc as plsc

NC = 2
NS = 16
HALF = 64
BATCH = 128
GROUP = 160
NBUF = 4
AHEAD = 2


def _mesh():
    return plsc.VectorSubcoreMesh(core_axis_name="c", subcore_axis_name="s")


def _hist_kernel(n_pad, nbh):
    rpt = n_pad // NS

    @functools.partial(
        pl.kernel,
        out_type=jax.ShapeDtypeStruct((NC * n_pad,), jnp.float32),
        mesh=_mesh(),
        scratch_types=[
            pltpu.VMEM((nbh, BATCH), jnp.int32),
            pltpu.VMEM((BATCH,), jnp.float32),
            pltpu.VMEM_SHARED((n_pad,), jnp.float32),
            pltpu.SemaphoreType.DMA,
        ],
    )
    def hist(dst_hbm, zeros_hbm, out_hbm, idx_v, ones_v, deg_sp, hsem):
        cid = lax.axis_index("c")
        sid = lax.axis_index("s")
        wid = sid * NC + cid
        r0 = sid * rpt
        pltpu.sync_copy(zeros_hbm.at[pl.ds(r0, rpt)], deg_sp.at[pl.ds(r0, rpt)])
        for j in range(BATCH // 16):
            ones_v[pl.ds(j * 16, 16)] = jnp.full((16,), 1.0, jnp.float32)
        pltpu.sync_copy(dst_hbm.at[pl.ds(wid * nbh, nbh)], idx_v)
        plsc.subcore_barrier()

        def body(b, carry):
            pltpu.async_copy(ones_v, deg_sp.at[idx_v.at[b]], hsem, add=True)

            @pl.when(b >= 2)
            def _():
                pltpu.make_async_copy(
                    zeros_hbm.at[pl.ds(0, BATCH)], ones_v, hsem).wait()
            return carry

        lax.fori_loop(0, nbh, body, 0)
        for _ in range(2):
            pltpu.make_async_copy(
                zeros_hbm.at[pl.ds(0, BATCH)], ones_v, hsem).wait()
        plsc.subcore_barrier()
        pltpu.sync_copy(deg_sp.at[pl.ds(r0, rpt)],
                        out_hbm.at[pl.ds(cid * n_pad + r0, rpt)])

    return hist


def _scatter_kernel(n_pad, nb):
    rpt = n_pad // NS

    @functools.partial(
        pl.kernel,
        out_type=jax.ShapeDtypeStruct((n_pad, 128), jnp.bfloat16),
        mesh=_mesh(),
        compiler_params=pltpu.CompilerParams(use_tc_tiling_on_sc=False),
        scratch_types=[
            pltpu.VMEM((GROUP, BATCH), jnp.int32),
            pltpu.VMEM((GROUP, BATCH), jnp.int32),
            pltpu.VMEM((NBUF, BATCH, HALF), jnp.bfloat16),
            pltpu.VMEM_SHARED((n_pad, HALF), jnp.bfloat16),
            pltpu.VMEM_SHARED((n_pad, HALF), jnp.bfloat16),
            [pltpu.SemaphoreType.DMA] * NBUF,
            [pltpu.SemaphoreType.DMA] * NBUF,
        ],
    )
    def scat(hp_hbm, src_hbm, dst_hbm, zeros_hbm, out_hbm,
             sidx_v, didx_v, rows_v, h_sp, acc_sp, gsems, ssems):
        cid = lax.axis_index("c")
        sid = lax.axis_index("s")
        r0 = sid * rpt
        pltpu.sync_copy(hp_hbm.at[pl.ds(r0, rpt), pl.ds(cid * HALF, HALF)],
                        h_sp.at[pl.ds(r0, rpt)])
        pltpu.sync_copy(zeros_hbm.at[pl.ds(r0, rpt)], acc_sp.at[pl.ds(r0, rpt)])
        plsc.subcore_barrier()

        def group_body(g, carry):
            base = sid * nb + g * GROUP
            pltpu.sync_copy(src_hbm.at[pl.ds(base, GROUP)], sidx_v)
            pltpu.sync_copy(dst_hbm.at[pl.ds(base, GROUP)], didx_v)
            for k in range(AHEAD):
                pltpu.async_copy(h_sp.at[sidx_v.at[k]], rows_v.at[k], gsems[k])

            def ring(i, c):
                for k in range(NBUF):
                    j = i * NBUF + k
                    pltpu.make_async_copy(
                        h_sp.at[sidx_v.at[j]], rows_v.at[k], gsems[k]).wait()
                    pltpu.async_copy(rows_v.at[k], acc_sp.at[didx_v.at[j]],
                                     ssems[k], add=True)
                    kn = (k + AHEAD) % NBUF

                    @pl.when(j + AHEAD >= NBUF)
                    def _():
                        pltpu.make_async_copy(
                            zeros_hbm.at[pl.ds(0, BATCH)], rows_v.at[kn],
                            ssems[kn]).wait()

                    @pl.when(j + AHEAD < GROUP)
                    def _():
                        pltpu.async_copy(
                            h_sp.at[sidx_v.at[j + AHEAD]], rows_v.at[kn],
                            gsems[kn])
                return c

            lax.fori_loop(0, GROUP // NBUF, ring, 0)
            for j in range(GROUP + AHEAD - NBUF, GROUP):
                pltpu.make_async_copy(
                    zeros_hbm.at[pl.ds(0, BATCH)], rows_v.at[j % NBUF],
                    ssems[j % NBUF]).wait()
            return carry

        lax.fori_loop(0, nb // GROUP, group_body, 0)
        plsc.subcore_barrier()
        pltpu.sync_copy(acc_sp.at[pl.ds(r0, rpt)],
                        out_hbm.at[pl.ds(r0, rpt), pl.ds(cid * HALF, HALF)])

    return scat


def _matmul_scale(x_pad, w, deg_col, n_pad):
    bm = 1024

    def body(x_ref, w_ref, deg_ref, o_ref, o16_ref):
        dinv = lax.rsqrt(deg_ref[...])
        h = jnp.dot(x_ref[...], w_ref[...], preferred_element_type=jnp.float32)
        hs = h * dinv
        o_ref[...] = hs
        o16_ref[...] = hs.astype(jnp.bfloat16)

    return pl.pallas_call(
        body,
        grid=(n_pad // bm,),
        in_specs=[
            pl.BlockSpec((bm, 128), lambda i: (i, 0)),
            pl.BlockSpec((128, 128), lambda i: (0, 0)),
            pl.BlockSpec((bm, 1), lambda i: (i, 0)),
        ],
        out_specs=[
            pl.BlockSpec((bm, 128), lambda i: (i, 0)),
            pl.BlockSpec((bm, 128), lambda i: (i, 0)),
        ],
        out_shape=[
            jax.ShapeDtypeStruct((n_pad, 128), jnp.float32),
            jax.ShapeDtypeStruct((n_pad, 128), jnp.bfloat16),
        ],
    )(x_pad, w, deg_col)


def _finalize(acc, hp, deg_col, b_row, n_pad):
    bm = 1024

    def body(a_ref, h_ref, deg_ref, b_ref, o_ref):
        dinv = lax.rsqrt(deg_ref[...])
        s = (a_ref[...].astype(jnp.float32) + h_ref[...]) * dinv + b_ref[...]
        o_ref[...] = jnp.maximum(s, 0.0)

    full_spec = pl.BlockSpec((bm, 128), lambda i: (i, 0))
    return pl.pallas_call(
        body,
        grid=(n_pad // bm,),
        in_specs=[
            full_spec,
            full_spec,
            pl.BlockSpec((bm, 1), lambda i: (i, 0)),
            pl.BlockSpec((1, 128), lambda i: (0, 0)),
        ],
        out_specs=full_spec,
        out_shape=jax.ShapeDtypeStruct((n_pad, 128), jnp.float32),
    )(acc, hp, deg_col, b_row)


def kernel(x, edge_index, W, b):
    n, hidden = x.shape
    e = edge_index.shape[1]
    n_pad = -(-n // (NS * 128)) * (NS * 128)

    src = edge_index[0].astype(jnp.int32)
    dst = edge_index[1].astype(jnp.int32)

    nb = -(-e // (NS * BATCH))
    nb = -(-nb // GROUP) * GROUP
    e_pad = NS * nb * BATCH
    pad_idx = jnp.full((e_pad - e,), n, jnp.int32)
    src2 = jnp.concatenate([src, pad_idx]).reshape(NS * nb, BATCH)
    dst2 = jnp.concatenate([dst, pad_idx]).reshape(NS * nb, BATCH)

    x_pad = jnp.pad(x, ((0, n_pad - n), (0, 0)))
    zeros1 = jnp.zeros((n_pad,), jnp.float32)
    zeros2 = jnp.zeros((n_pad, HALF), jnp.bfloat16)

    hist = _hist_kernel(n_pad, nb // 2)(dst2, zeros1)
    deg_col = (1.0 + hist[:n_pad] + hist[n_pad:]).reshape(n_pad, 1)

    hp, hp16 = _matmul_scale(x_pad, W, deg_col, n_pad)
    acc = _scatter_kernel(n_pad, nb)(hp16, src2, dst2, zeros2)
    out = _finalize(acc, hp, deg_col, b.reshape(1, 128), n_pad)
    return out[:n]

# --- scband reference (transcript-rebuilt; emitter-appended) ---
"""Pipeline reference for scband-mpnnblock-19576460935443 (READ-ONLY COPY).

The authoritative reference and input builder live on the scoring server;
editing this copy changes nothing except your own understanding.
"""

import jax, jax.numpy as jnp
import numpy as np

N_NODES = 10000
HIDDEN = 128
N_EDGES = 320000

def setup_inputs(seed: int = 0) -> dict:
    key = jax.random.key(seed)
    k1, k2, k3, k4 = jax.random.split(key, 4)
    x = jax.random.normal(k1, (N_NODES, HIDDEN), dtype=jnp.float32)
    edge_index = jax.random.randint(k2, (2, N_EDGES), 0, N_NODES, dtype=jnp.int64)
    # GCNConv linear weight (no bias in lin) + separate bias, glorot-style init
    limit = float(np.sqrt(6.0 / (HIDDEN + HIDDEN)))
    W = jax.random.uniform(k3, (HIDDEN, HIDDEN), dtype=jnp.float32, minval=-limit, maxval=limit)
    b = jnp.zeros((HIDDEN,), dtype=jnp.float32)
    return {"x": x, "edge_index": edge_index, "W": W, "b": b}

def reference(x, edge_index, W, b):
    # MPNNBlock(mpnn_type='gcn') forward in eval mode (dropout = identity).
    # GCNConv with add_self_loops=True and symmetric normalization:
    #   out = D^{-1/2} (A + I) D^{-1/2} (x @ W) + b, then ReLU.
    N = x.shape[0]
    loop = jnp.arange(N, dtype=edge_index.dtype)
    row = jnp.concatenate([edge_index[0], loop])  # src
    col = jnp.concatenate([edge_index[1], loop])  # dst
    edge_weight = jnp.ones(row.shape[0], dtype=x.dtype)
    deg = jax.ops.segment_sum(edge_weight, col, num_segments=N)
    deg_inv_sqrt = jnp.where(deg > 0, jax.lax.rsqrt(deg), 0.0)
    norm = deg_inv_sqrt[row] * deg_inv_sqrt[col]
    h = x @ W
    msg = h[row] * norm[:, None]
    out = jax.ops.segment_sum(msg, col, num_segments=N)
    out = out + b
    out = jax.nn.relu(out)
    return out

if __name__ == "__main__":
    import jax
    _d = setup_inputs()
    print(jax.jit(kernel)(*tuple(_d.values())))

</pallas_src>

<mosaic_0001>
#map = affine_map<(d0, d1) -> (0, 0)>
#map1 = affine_map<(d0, d1) -> (0)>
module attributes {stable_mosaic.version = 14 : i64} {
  func.func @hist(%arg0: i32, %arg1: i32, %arg2: memref<2560x128xi32, #tpu.memory_space<hbm>>, %arg3: memref<10240xf32, #tpu.memory_space<hbm>>, %arg4: memref<20480xf32, #tpu.memory_space<hbm>>, %arg5: memref<80x128xi32, #tpu.memory_space<vmem>>, %arg6: memref<128xf32, #tpu.memory_space<vmem>>, %arg7: memref<10240xf32, #tpu.memory_space<vmem_shared>>, %arg8: memref<!tpu.dma_semaphore, #tpu.memory_space<semaphore_mem>>) attributes {dimension_semantics = [#tpu.dimension_semantics<core_parallel>, #tpu.dimension_semantics<subcore_parallel>], iteration_bounds = array<i64: 2, 16>, scalar_prefetch = 0 : i64, scratch_operands = 4 : i64, tpu.core_type = #tpu.core_type<sc_vector_subcore>, window_params = [{transform_indices = #map}, {transform_indices = #map1}, {transform_indices = #map1}]} {
    %mul3A = arith.constant 2 : i32
    %mul3A_0 = arith.muli %arg1, %mul3A : i32
    %add3A = arith.addi %mul3A_0, %arg0 : i32
    %mul3A_1 = arith.constant 640 : i32
    %mul3A_2 = arith.muli %arg1, %mul3A_1 : i32
    "tpu.region"() ({
      %run_scoped3A = tpu.sem_alloc : memref<!tpu.dma_semaphore, #tpu.memory_space<semaphore_mem>>
      %dma_start3A = tpu.memref_slice %arg7[%mul3A_2] : memref<10240xf32, #tpu.memory_space<vmem_shared>> -> memref<640xf32, #tpu.memory_space<vmem_shared>>
      %dma_start3A_67 = tpu.memref_slice %arg3[%mul3A_2] : memref<10240xf32, #tpu.memory_space<hbm>> -> memref<640xf32, #tpu.memory_space<hbm>>
      tpu.enqueue_dma source(%dma_start3A_67 : memref<640xf32, #tpu.memory_space<hbm>>) target(%dma_start3A : memref<640xf32, #tpu.memory_space<vmem_shared>>) target_semaphore(%run_scoped3A : memref<!tpu.dma_semaphore, #tpu.memory_space<semaphore_mem>>)
      %dma_wait3A_68 = tpu.memref_slice %arg7[%mul3A_2] : memref<10240xf32, #tpu.memory_space<vmem_shared>> -> memref<640xf32, #tpu.memory_space<vmem_shared>>
      %dma_wait3A_69 = tpu.memref_slice %arg3[%mul3A_2] : memref<10240xf32, #tpu.memory_space<hbm>> -> memref<640xf32, #tpu.memory_space<hbm>>
      tpu.wait_dma2 semaphore(%run_scoped3A : memref<!tpu.dma_semaphore, #tpu.memory_space<semaphore_mem>>) src(%dma_wait3A_69 : memref<640xf32, #tpu.memory_space<hbm>>) dst(%dma_wait3A_68 : memref<640xf32, #tpu.memory_space<vmem_shared>>)
      tpu.yield
    }) : () -> ()
    %broadcast_in_dim3A = arith.constant 1.000000e+00 : f32
    %broadcast_in_dim3A_3 = vector.broadcast %broadcast_in_dim3A : f32 to vector<16xf32>
    %swap3A = arith.constant 0 : index
    %swap3A_4 = tpu.vector_load %arg6[%swap3A] {strides = array<i32>} : memref<128xf32, #tpu.memory_space<vmem>>, vector<16xf32>,
    %swap3A_5 = vector.shape_cast %swap3A_4 : vector<16xf32> to vector<16xf32>
    %swap3A_6 = vector.shape_cast %broadcast_in_dim3A_3 : vector<16xf32> to vector<16xf32>
    tpu.vector_store %arg6[%swap3A], %swap3A_6 {strides = array<i32>} : memref<128xf32, #tpu.memory_space<vmem>>, vector<16xf32>,
    %broadcast_in_dim3A_7 = arith.constant 1.000000e+00 : f32
    %broadcast_in_dim3A_8 = vector.broadcast %broadcast_in_dim3A_7 : f32 to vector<16xf32>
    %swap3A_9 = arith.constant 16 : index
    %swap3A_10 = tpu.vector_load %arg6[%swap3A_9] {strides = array<i32>} : memref<128xf32, #tpu.memory_space<vmem>>, vector<16xf32>,
    %swap3A_11 = vector.shape_cast %swap3A_10 : vector<16xf32> to vector<16xf32>
    %swap3A_12 = vector.shape_cast %broadcast_in_dim3A_8 : vector<16xf32> to vector<16xf32>
    tpu.vector_store %arg6[%swap3A_9], %swap3A_12 {strides = array<i32>} : memref<128xf32, #tpu.memory_space<vmem>>, vector<16xf32>,
    %broadcast_in_dim3A_13 = arith.constant 1.000000e+00 : f32
    %broadcast_in_dim3A_14 = vector.broadcast %broadcast_in_dim3A_13 : f32 to vector<16xf32>
    %swap3A_15 = arith.constant 32 : index
    %swap3A_16 = tpu.vector_load %arg6[%swap3A_15] {strides = array<i32>} : memref<128xf32, #tpu.memory_space<vmem>>, vector<16xf32>,
    %swap3A_17 = vector.shape_cast %swap3A_16 : vector<16xf32> to vector<16xf32>
    %swap3A_18 = vector.shape_cast %broadcast_in_dim3A_14 : vector<16xf32> to vector<16xf32>
    tpu.vector_store %arg6[%swap3A_15], %swap3A_18 {strides = array<i32>} : memref<128xf32, #tpu.memory_space<vmem>>, vector<16xf32>,
    %broadcast_in_dim3A_19 = arith.constant 1.000000e+00 : f32
    %broadcast_in_dim3A_20 = vector.broadcast %broadcast_in_dim3A_19 : f32 to vector<16xf32>
    %swap3A_21 = arith.constant 48 : index
    %swap3A_22 = tpu.vector_load %arg6[%swap3A_21] {strides = array<i32>} : memref<128xf32, #tpu.memory_space<vmem>>, vector<16xf32>,
    %swap3A_23 = vector.shape_cast %swap3A_22 : vector<16xf32> to vector<16xf32>
    %swap3A_24 = vector.shape_cast %broadcast_in_dim3A_20 : vector<16xf32> to vector<16xf32>
    tpu.vector_store %arg6[%swap3A_21], %swap3A_24 {strides = array<i32>} : memref<128xf32, #tpu.memory_space<vmem>>, vector<16xf32>,
    %broadcast_in_dim3A_25 = arith.constant 1.000000e+00 : f32
    %broadcast_in_dim3A_26 = vector.broadcast %broadcast_in_dim3A_25 : f32 to vector<16xf32>
    %swap3A_27 = arith.constant 64 : index
    %swap3A_28 = tpu.vector_load %arg6[%swap3A_27] {strides = array<i32>} : memref<128xf32, #tpu.memory_space<vmem>>, vector<16xf32>,
    %swap3A_29 = vector.shape_cast %swap3A_28 : vector<16xf32> to vector<16xf32>
    %swap3A_30 = vector.shape_cast %broadcast_in_dim3A_26 : vector<16xf32> to vector<16xf32>
    tpu.vector_store %arg6[%swap3A_27], %swap3A_30 {strides = array<i32>} : memref<128xf32, #tpu.memory_space<vmem>>, vector<16xf32>,
    %broadcast_in_dim3A_31 = arith.constant 1.000000e+00 : f32
    %broadcast_in_dim3A_32 = vector.broadcast %broadcast_in_dim3A_31 : f32 to vector<16xf32>
    %swap3A_33 = arith.constant 80 : index
    %swap3A_34 = tpu.vector_load %arg6[%swap3A_33] {strides = array<i32>} : memref<128xf32, #tpu.memory_space<vmem>>, vector<16xf32>,
    %swap3A_35 = vector.shape_cast %swap3A_34 : vector<16xf32> to vector<16xf32>
    %swap3A_36 = vector.shape_cast %broadcast_in_dim3A_32 : vector<16xf32> to vector<16xf32>
    tpu.vector_store %arg6[%swap3A_33], %swap3A_36 {strides = array<i32>} : memref<128xf32, #tpu.memory_space<vmem>>, vector<16xf32>,
    %broadcast_in_dim3A_37 = arith.constant 1.000000e+00 : f32
    %broadcast_in_dim3A_38 = vector.broadcast %broadcast_in_dim3A_37 : f32 to vector<16xf32>
    %swap3A_39 = arith.constant 96 : index
    %swap3A_40 = tpu.vector_load %arg6[%swap3A_39] {strides = array<i32>} : memref<128xf32, #tpu.memory_space<vmem>>, vector<16xf32>,
    %swap3A_41 = vector.shape_cast %swap3A_40 : vector<16xf32> to vector<16xf32>
    %swap3A_42 = vector.shape_cast %broadcast_in_dim3A_38 : vector<16xf32> to vector<16xf32>
    tpu.vector_store %arg6[%swap3A_39], %swap3A_42 {strides = array<i32>} : memref<128xf32, #tpu.memory_space<vmem>>, vector<16xf32>,
    %broadcast_in_dim3A_43 = arith.constant 1.000000e+00 : f32
    %broadcast_in_dim3A_44 = vector.broadcast %broadcast_in_dim3A_43 : f32 to vector<16xf32>
    %swap3A_45 = arith.constant 112 : index
    %swap3A_46 = tpu.vector_load %arg6[%swap3A_45] {strides = array<i32>} : memref<128xf32, #tpu.memory_space<vmem>>, vector<16xf32>,
    %swap3A_47 = vector.shape_cast %swap3A_46 : vector<16xf32> to vector<16xf32>
    %swap3A_48 = vector.shape_cast %broadcast_in_dim3A_44 : vector<16xf32> to vector<16xf32>
    tpu.vector_store %arg6[%swap3A_45], %swap3A_48 {strides = array<i32>} : memref<128xf32, #tpu.memory_space<vmem>>, vector<16xf32>,
    %mul3A_49 = arith.constant 80 : i32
    %mul3A_50 = arith.muli %add3A, %mul3A_49 : i32
    "tpu.region"() ({
      %run_scoped3A = tpu.sem_alloc : memref<!tpu.dma_semaphore, #tpu.memory_space<semaphore_mem>>
      %dma_start3A = arith.constant 0 : i32
      %dma_start3A_67 = tpu.memref_slice %arg2[%mul3A_50, %dma_start3A] : memref<2560x128xi32, #tpu.memory_space<hbm>> -> memref<80x128xi32, #tpu.memory_space<hbm>>
      %dma_start3A_68 = arith.constant 0 : i32
      %dma_start3A_69 = tpu.memref_slice %arg2[%mul3A_50, %dma_start3A_68] : memref<2560x128xi32, #tpu.memory_space<hbm>> -> memref<80x128xi32, #tpu.memory_space<hbm>>
      tpu.enqueue_dma source(%dma_start3A_69 : memref<80x128xi32, #tpu.memory_space<hbm>>) target(%arg5 : memref<80x128xi32, #tpu.memory_space<vmem>>) target_semaphore(%run_scoped3A : memref<!tpu.dma_semaphore, #tpu.memory_space<semaphore_mem>>)
      %dma_wait3A_70 = arith.constant 0 : i32
      %dma_wait3A_71 = tpu.memref_slice %arg2[%mul3A_50, %dma_wait3A_70] : memref<2560x128xi32, #tpu.memory_space<hbm>> -> memref<80x128xi32, #tpu.memory_space<hbm>>
      %dma_wait3A_72 = arith.constant 0 : i32
      %dma_wait3A_73 = tpu.memref_slice %arg2[%mul3A_50, %dma_wait3A_72] : memref<2560x128xi32, #tpu.memory_space<hbm>> -> memref<80x128xi32, #tpu.memory_space<hbm>>
      tpu.wait_dma2 semaphore(%run_scoped3A : memref<!tpu.dma_semaphore, #tpu.memory_space<semaphore_mem>>) src(%dma_wait3A_73 : memref<80x128xi32, #tpu.memory_space<hbm>>) dst(%arg5 : memref<80x128xi32, #tpu.memory_space<vmem>>)
      tpu.yield
    }) : () -> ()
    %barrier3A = arith.constant 0 : index
    tpu.barrier barrier_id(%barrier3A)
    %scan3A = arith.constant 0 : i32
    %scan3A_51 = arith.constant 0 : i32
    %scan3A_52 = arith.constant 80 : i32
    %scan3A_53 = arith.addi %scan3A_51, %scan3A_52 : i32
    %scan3A_54 = arith.constant 1 : i32
    scf.for %scan3A_67 = %scan3A_51 to %scan3A_53 step %scan3A_54  : i32 {
      %dma_start3A = arith.constant 0 : i32
      %dma_start3A_68 = tpu.memref_slice %arg5[%scan3A_67, %dma_start3A] : memref<80x128xi32, #tpu.memory_space<vmem>> -> memref<1x128xi32, #tpu.memory_space<vmem>>
      %dma_start3A_69 = tpu.memref_squeeze %dma_start3A_68 : memref<1x128xi32, #tpu.memory_space<vmem>> -> memref<128xi32, #tpu.memory_space<vmem>>
      %dma_start3A_70 = arith.constant 0 : i32
      %dma_start3A_71 = tpu.memref_slice %arg7[%dma_start3A_70] : memref<10240xf32, #tpu.memory_space<vmem_shared>> -> memref<10240xf32, #tpu.memory_space<vmem_shared>>
      tpu.enqueue_indirect_dma source(%arg6 : memref<128xf32, #tpu.memory_space<vmem>>) target(%dma_start3A_71 : memref<10240xf32, #tpu.memory_space<vmem_shared>>) offsets(%dma_start3A_69 : memref<128xi32, #tpu.memory_space<vmem>>) semaphore(%arg8 : memref<!tpu.dma_semaphore, #tpu.memory_space<semaphore_mem>>) {add = true}
      %ge3A = arith.constant 2 : i32
      %ge3A_72 = arith.cmpi sge, %scan3A_67, %ge3A : i32
      %convert_element_type3A = arith.extui %ge3A_72 : i1 to i32
      %cond3A = arith.constant 0 : i32
      %cond3A_73 = arith.cmpi ne, %convert_element_type3A, %cond3A : i32
      scf.if %cond3A_73 {
        %dma_wait3A_74 = arith.constant 0 : i32
        %dma_wait3A_75 = tpu.memref_slice %arg3[%dma_wait3A_74] : memref<10240xf32, #tpu.memory_space<hbm>> -> memref<128xf32, #tpu.memory_space<hbm>>
        %dma_wait3A_76 = arith.constant 0 : i32
        %dma_wait3A_77 = tpu.memref_slice %arg3[%dma_wait3A_76] : memref<10240xf32, #tpu.memory_space<hbm>> -> memref<128xf32, #tpu.memory_space<hbm>>
        tpu.wait_dma2 semaphore(%arg8 : memref<!tpu.dma_semaphore, #tpu.memory_space<semaphore_mem>>) src(%dma_wait3A_77 : memref<128xf32, #tpu.memory_space<hbm>>) dst(%arg6 : memref<128xf32, #tpu.memory_space<vmem>>)
      } else {
      }
    }
    %scan3A_55 = arith.constant 80 : i32
    %dma_wait3A = arith.constant 0 : i32
    %dma_wait3A_56 = tpu.memref_slice %arg3[%dma_wait3A] : memref<10240xf32, #tpu.memory_space<hbm>> -> memref<128xf32, #tpu.memory_space<hbm>>
    %dma_wait3A_57 = arith.constant 0 : i32
    %dma_wait3A_58 = tpu.memref_slice %arg3[%dma_wait3A_57] : memref<10240xf32, #tpu.memory_space<hbm>> -> memref<128xf32, #tpu.memory_space<hbm>>
    tpu.wait_dma2 semaphore(%arg8 : memref<!tpu.dma_semaphore, #tpu.memory_space<semaphore_mem>>) src(%dma_wait3A_58 : memref<128xf32, #tpu.memory_space<hbm>>) dst(%arg6 : memref<128xf32, #tpu.memory_space<vmem>>)
    %dma_wait3A_59 = arith.constant 0 : i32
    %dma_wait3A_60 = tpu.memref_slice %arg3[%dma_wait3A_59] : memref<10240xf32, #tpu.memory_space<hbm>> -> memref<128xf32, #tpu.memory_space<hbm>>
    %dma_wait3A_61 = arith.constant 0 : i32
    %dma_wait3A_62 = tpu.memref_slice %arg3[%dma_wait3A_61] : memref<10240xf32, #tpu.memory_space<hbm>> -> memref<128xf32, #tpu.memory_space<hbm>>
    tpu.wait_dma2 semaphore(%arg8 : memref<!tpu.dma_semaphore, #tpu.memory_space<semaphore_mem>>) src(%dma_wait3A_62 : memref<128xf32, #tpu.memory_space<hbm>>) dst(%arg6 : memref<128xf32, #tpu.memory_space<vmem>>)
    %barrier3A_63 = arith.constant 0 : index
    tpu.barrier barrier_id(%barrier3A_63)
    %mul3A_64 = arith.constant 10240 : i32
    %mul3A_65 = arith.muli %arg0, %mul3A_64 : i32
    %add3A_66 = arith.addi %mul3A_65, %mul3A_2 : i32
    "tpu.region"() ({
      %run_scoped3A = tpu.sem_alloc : memref<!tpu.dma_semaphore, #tpu.memory_space<semaphore_mem>>
      %dma_start3A = tpu.memref_slice %arg4[%add3A_66] : memref<20480xf32, #tpu.memory_space<hbm>> -> memref<640xf32, #tpu.memory_space<hbm>>
      %dma_start3A_67 = tpu.memref_slice %arg7[%mul3A_2] : memref<10240xf32, #tpu.memory_space<vmem_shared>> -> memref<640xf32, #tpu.memory_space<vmem_shared>>
      tpu.enqueue_dma source(%dma_start3A_67 : memref<640xf32, #tpu.memory_space<vmem_shared>>) target(%dma_start3A : memref<640xf32, #tpu.memory_space<hbm>>) target_semaphore(%run_scoped3A : memref<!tpu.dma_semaphore, #tpu.memory_space<semaphore_mem>>)
      %dma_wait3A_68 = tpu.memref_slice %arg4[%add3A_66] : memref<20480xf32, #tpu.memory_space<hbm>> -> memref<640xf32, #tpu.memory_space<hbm>>
      %dma_wait3A_69 = tpu.memref_slice %arg7[%mul3A_2] : memref<10240xf32, #tpu.memory_space<vmem_shared>> -> memref<640xf32, #tpu.memory_space<vmem_shared>>
      tpu.wait_dma2 semaphore(%run_scoped3A : memref<!tpu.dma_semaphore, #tpu.memory_space<semaphore_mem>>) src(%dma_wait3A_69 : memref<640xf32, #tpu.memory_space<vmem_shared>>) dst(%dma_wait3A_68 : memref<640xf32, #tpu.memory_space<hbm>>)
      tpu.yield
    }) : () -> ()
    return
  }
}

#map = affine_map<(d0, d1) -> (0, 0)>
module attributes {stable_mosaic.version = 14 : i64} {
  func.func @scat(%arg0: i32, %arg1: i32, %arg2: memref<10240x128xbf16, #tpu.memory_space<hbm>>, %arg3: memref<2560x128xi32, #tpu.memory_space<hbm>>, %arg4: memref<2560x128xi32, #tpu.memory_space<hbm>>, %arg5: memref<10240x64xbf16, #tpu.memory_space<hbm>>, %arg6: memref<10240x128xbf16, #tpu.memory_space<hbm>>, %arg7: memref<160x128xi32, #tpu.memory_space<vmem>>, %arg8: memref<160x128xi32, #tpu.memory_space<vmem>>, %arg9: memref<4x128x64xbf16, #tpu.memory_space<vmem>>, %arg10: memref<10240x64xbf16, #tpu.memory_space<vmem_shared>>, %arg11: memref<10240x64xbf16, #tpu.memory_space<vmem_shared>>, %arg12: memref<!tpu.dma_semaphore, #tpu.memory_space<semaphore_mem>>, %arg13: memref<!tpu.dma_semaphore, #tpu.memory_space<semaphore_mem>>, %arg14: memref<!tpu.dma_semaphore, #tpu.memory_space<semaphore_mem>>, %arg15: memref<!tpu.dma_semaphore, #tpu.memory_space<semaphore_mem>>, %arg16: memref<!tpu.dma_semaphore, #tpu.memory_space<semaphore_mem>>, %arg17: memref<!tpu.dma_semaphore, #tpu.memory_space<semaphore_mem>>, %arg18: memref<!tpu.dma_semaphore, #tpu.memory_space<semaphore_mem>>, %arg19: memref<!tpu.dma_semaphore, #tpu.memory_space<semaphore_mem>>) attributes {dimension_semantics = [#tpu.dimension_semantics<core_parallel>, #tpu.dimension_semantics<subcore_parallel>], iteration_bounds = array<i64: 2, 16>, scalar_prefetch = 0 : i64, scratch_operands = 13 : i64, tpu.core_type = #tpu.core_type<sc_vector_subcore>, window_params = [{transform_indices = #map}, {transform_indices = #map}, {transform_indices = #map}, {transform_indices = #map}, {transform_indices = #map}]} {
    %mul3A = arith.constant 640 : i32
    %mul3A_0 = arith.muli %arg1, %mul3A : i32
    %mul3A_1 = arith.constant 64 : i32
    %mul3A_2 = arith.muli %arg0, %mul3A_1 : i32
    "tpu.region"() ({
      %run_scoped3A = tpu.sem_alloc : memref<!tpu.dma_semaphore, #tpu.memory_space<semaphore_mem>>
      %dma_start3A_70 = arith.constant 0 : i32
      %dma_start3A_71 = tpu.memref_slice %arg10[%mul3A_0, %dma_start3A_70] : memref<10240x64xbf16, #tpu.memory_space<vmem_shared>> -> memref<640x64xbf16, #tpu.memory_space<vmem_shared>>
      %dma_start3A_72 = tpu.memref_slice %arg2[%mul3A_0, %mul3A_2] : memref<10240x128xbf16, #tpu.memory_space<hbm>> -> memref<640x64xbf16, #tpu.memory_space<hbm>>
      tpu.enqueue_dma source(%dma_start3A_72 : memref<640x64xbf16, #tpu.memory_space<hbm>>) target(%dma_start3A_71 : memref<640x64xbf16, #tpu.memory_space<vmem_shared>>) target_semaphore(%run_scoped3A : memref<!tpu.dma_semaphore, #tpu.memory_space<semaphore_mem>>)
      %dma_wait3A_73 = arith.constant 0 : i32
      %dma_wait3A_74 = tpu.memref_slice %arg10[%mul3A_0, %dma_wait3A_73] : memref<10240x64xbf16, #tpu.memory_space<vmem_shared>> -> memref<640x64xbf16, #tpu.memory_space<vmem_shared>>
      %dma_wait3A_75 = tpu.memref_slice %arg2[%mul3A_0, %mul3A_2] : memref<10240x128xbf16, #tpu.memory_space<hbm>> -> memref<640x64xbf16, #tpu.memory_space<hbm>>
      tpu.wait_dma2 semaphore(%run_scoped3A : memref<!tpu.dma_semaphore, #tpu.memory_space<semaphore_mem>>) src(%dma_wait3A_75 : memref<640x64xbf16, #tpu.memory_space<hbm>>) dst(%dma_wait3A_74 : memref<640x64xbf16, #tpu.memory_space<vmem_shared>>)
      tpu.yield
    }) : () -> ()
    "tpu.region"() ({
      %run_scoped3A = tpu.sem_alloc : memref<!tpu.dma_semaphore, #tpu.memory_space<semaphore_mem>>
      %dma_start3A_70 = arith.constant 0 : i32
      %dma_start3A_71 = tpu.memref_slice %arg11[%mul3A_0, %dma_start3A_70] : memref<10240x64xbf16, #tpu.memory_space<vmem_shared>> -> memref<640x64xbf16, #tpu.memory_space<vmem_shared>>
      %dma_start3A_72 = arith.constant 0 : i32
      %dma_start3A_73 = tpu.memref_slice %arg5[%mul3A_0, %dma_start3A_72] : memref<10240x64xbf16, #tpu.memory_space<hbm>> -> memref<640x64xbf16, #tpu.memory_space<hbm>>
      tpu.enqueue_dma source(%dma_start3A_73 : memref<640x64xbf16, #tpu.memory_space<hbm>>) target(%dma_start3A_71 : memref<640x64xbf16, #tpu.memory_space<vmem_shared>>) target_semaphore(%run_scoped3A : memref<!tpu.dma_semaphore, #tpu.memory_space<semaphore_mem>>)
      %dma_wait3A_74 = arith.constant 0 : i32
      %dma_wait3A_75 = tpu.memref_slice %arg11[%mul3A_0, %dma_wait3A_74] : memref<10240x64xbf16, #tpu.memory_space<vmem_shared>> -> memref<640x64xbf16, #tpu.memory_space<vmem_shared>>
      %dma_wait3A_76 = arith.constant 0 : i32
      %dma_wait3A_77 = tpu.memref_slice %arg5[%mul3A_0, %dma_wait3A_76] : memref<10240x64xbf16, #tpu.memory_space<hbm>> -> memref<640x64xbf16, #tpu.memory_space<hbm>>
      tpu.wait_dma2 semaphore(%run_scoped3A : memref<!tpu.dma_semaphore, #tpu.memory_space<semaphore_mem>>) src(%dma_wait3A_77 : memref<640x64xbf16, #tpu.memory_space<hbm>>) dst(%dma_wait3A_75 : memref<640x64xbf16, #tpu.memory_space<vmem_shared>>)
      tpu.yield
    }) : () -> ()
    %barrier3A = arith.constant 0 : index
    tpu.barrier barrier_id(%barrier3A)
    %scan3A = arith.constant 0 : i32
    %scan3A_3 = arith.constant 0 : i32
    %mul3A_4 = arith.constant 160 : i32
    %mul3A_5 = arith.muli %arg1, %mul3A_4 : i32
    %mul3A_6 = arith.constant 160 : i32
    %mul3A_7 = arith.muli %scan3A_3, %mul3A_6 : i32
    %add3A = arith.addi %mul3A_5, %mul3A_7 : i32
    "tpu.region"() ({
      %run_scoped3A = tpu.sem_alloc : memref<!tpu.dma_semaphore, #tpu.memory_space<semaphore_mem>>
      %dma_start3A_70 = arith.constant 0 : i32
      %dma_start3A_71 = tpu.memref_slice %arg3[%add3A, %dma_start3A_70] : memref<2560x128xi32, #tpu.memory_space<hbm>> -> memref<160x128xi32, #tpu.memory_space<hbm>>
      %dma_start3A_72 = arith.constant 0 : i32
      %dma_start3A_73 = tpu.memref_slice %arg3[%add3A, %dma_start3A_72] : memref<2560x128xi32, #tpu.memory_space<hbm>> -> memref<160x128xi32, #tpu.memory_space<hbm>>
      tpu.enqueue_dma source(%dma_start3A_73 : memref<160x128xi32, #tpu.memory_space<hbm>>) target(%arg7 : memref<160x128xi32, #tpu.memory_space<vmem>>) target_semaphore(%run_scoped3A : memref<!tpu.dma_semaphore, #tpu.memory_space<semaphore_mem>>)
      %dma_wait3A_74 = arith.constant 0 : i32
      %dma_wait3A_75 = tpu.memref_slice %arg3[%add3A, %dma_wait3A_74] : memref<2560x128xi32, #tpu.memory_space<hbm>> -> memref<160x128xi32, #tpu.memory_space<hbm>>
      %dma_wait3A_76 = arith.constant 0 : i32
      %dma_wait3A_77 = tpu.memref_slice %arg3[%add3A, %dma_wait3A_76] : memref<2560x128xi32, #tpu.memory_space<hbm>> -> memref<160x128xi32, #tpu.memory_space<hbm>>
      tpu.wait_dma2 semaphore(%run_scoped3A : memref<!tpu.dma_semaphore, #tpu.memory_space<semaphore_mem>>) src(%dma_wait3A_77 : memref<160x128xi32, #tpu.memory_space<hbm>>) dst(%arg7 : memref<160x128xi32, #tpu.memory_space<vmem>>)
      tpu.yield
    }) : () -> ()
    "tpu.region"() ({
      %run_scoped3A = tpu.sem_alloc : memref<!tpu.dma_semaphore, #tpu.memory_space<semaphore_mem>>
      %dma_start3A_70 = arith.constant 0 : i32
      %dma_start3A_71 = tpu.memref_slice %arg4[%add3A, %dma_start3A_70] : memref<2560x128xi32, #tpu.memory_space<hbm>> -> memref<160x128xi32, #tpu.memory_space<hbm>>
      %dma_start3A_72 = arith.constant 0 : i32
      %dma_start3A_73 = tpu.memref_slice %arg4[%add3A, %dma_start3A_72] : memref<2560x128xi32, #tpu.memory_space<hbm>> -> memref<160x128xi32, #tpu.memory_space<hbm>>
      tpu.enqueue_dma source(%dma_start3A_73 : memref<160x128xi32, #tpu.memory_space<hbm>>) target(%arg8 : memref<160x128xi32, #tpu.memory_space<vmem>>) target_semaphore(%run_scoped3A : memref<!tpu.dma_semaphore, #tpu.memory_space<semaphore_mem>>)
      %dma_wait3A_74 = arith.constant 0 : i32
      %dma_wait3A_75 = tpu.memref_slice %arg4[%add3A, %dma_wait3A_74] : memref<2560x128xi32, #tpu.memory_space<hbm>> -> memref<160x128xi32, #tpu.memory_space<hbm>>
      %dma_wait3A_76 = arith.constant 0 : i32
      %dma_wait3A_77 = tpu.memref_slice %arg4[%add3A, %dma_wait3A_76] : memref<2560x128xi32, #tpu.memory_space<hbm>> -> memref<160x128xi32, #tpu.memory_space<hbm>>
      tpu.wait_dma2 semaphore(%run_scoped3A : memref<!tpu.dma_semaphore, #tpu.memory_space<semaphore_mem>>) src(%dma_wait3A_77 : memref<160x128xi32, #tpu.memory_space<hbm>>) dst(%arg8 : memref<160x128xi32, #tpu.memory_space<vmem>>)
      tpu.yield
    }) : () -> ()
    %dma_start3A = arith.constant 0 : i32
    %dma_start3A_8 = arith.constant 0 : i32
    %dma_start3A_9 = arith.constant 0 : i32
    %dma_start3A_10 = arith.constant 0 : i32
    %dma_start3A_11 = tpu.memref_slice %arg9[%dma_start3A_8, %dma_start3A_9, %dma_start3A_10] : memref<4x128x64xbf16, #tpu.memory_space<vmem>> -> memref<1x128x64xbf16, #tpu.memory_space<vmem>>
    %dma_start3A_12 = tpu.memref_squeeze %dma_start3A_11 : memref<1x128x64xbf16, #tpu.memory_space<vmem>> -> memref<128x64xbf16, #tpu.memory_space<vmem>>
    %dma_start3A_13 = arith.constant 0 : i32
    %dma_start3A_14 = tpu.memref_slice %arg7[%dma_start3A, %dma_start3A_13] : memref<160x128xi32, #tpu.memory_space<vmem>> -> memref<1x128xi32, #tpu.memory_space<vmem>>
    %dma_start3A_15 = tpu.memref_squeeze %dma_start3A_14 : memref<1x128xi32, #tpu.memory_space<vmem>> -> memref<128xi32, #tpu.memory_space<vmem>>
    %dma_start3A_16 = arith.constant 0 : i32
    %dma_start3A_17 = arith.constant 0 : i32
    %dma_start3A_18 = tpu.memref_slice %arg10[%dma_start3A_16, %dma_start3A_17] : memref<10240x64xbf16, #tpu.memory_space<vmem_shared>> -> memref<10240x64xbf16, #tpu.memory_space<vmem_shared>>
    tpu.enqueue_indirect_dma source(%dma_start3A_18 : memref<10240x64xbf16, #tpu.memory_space<vmem_shared>>) target(%dma_start3A_12 : memref<128x64xbf16, #tpu.memory_space<vmem>>) offsets(%dma_start3A_15 : memref<128xi32, #tpu.memory_space<vmem>>) semaphore(%arg12 : memref<!tpu.dma_semaphore, #tpu.memory_space<semaphore_mem>>)
    %dma_start3A_19 = arith.constant 1 : i32
    %dma_start3A_20 = arith.constant 1 : i32
    %dma_start3A_21 = arith.constant 0 : i32
    %dma_start3A_22 = arith.constant 0 : i32
    %dma_start3A_23 = tpu.memref_slice %arg9[%dma_start3A_20, %dma_start3A_21, %dma_start3A_22] : memref<4x128x64xbf16, #tpu.memory_space<vmem>> -> memref<1x128x64xbf16, #tpu.memory_space<vmem>>
    %dma_start3A_24 = tpu.memref_squeeze %dma_start3A_23 : memref<1x128x64xbf16, #tpu.memory_space<vmem>> -> memref<128x64xbf16, #tpu.memory_space<vmem>>
    %dma_start3A_25 = arith.constant 0 : i32
    %dma_start3A_26 = tpu.memref_slice %arg7[%dma_start3A_19, %dma_start3A_25] : memref<160x128xi32, #tpu.memory_space<vmem>> -> memref<1x128xi32, #tpu.memory_space<vmem>>
    %dma_start3A_27 = tpu.memref_squeeze %dma_start3A_26 : memref<1x128xi32, #tpu.memory_space<vmem>> -> memref<128xi32, #tpu.memory_space<vmem>>
    %dma_start3A_28 = arith.constant 0 : i32
    %dma_start3A_29 = arith.constant 0 : i32
    %dma_start3A_30 = tpu.memref_slice %arg10[%dma_start3A_28, %dma_start3A_29] : memref<10240x64xbf16, #tpu.memory_space<vmem_shared>> -> memref<10240x64xbf16, #tpu.memory_space<vmem_shared>>
    tpu.enqueue_indirect_dma source(%dma_start3A_30 : memref<10240x64xbf16, #tpu.memory_space<vmem_shared>>) target(%dma_start3A_24 : memref<128x64xbf16, #tpu.memory_space<vmem>>) offsets(%dma_start3A_27 : memref<128xi32, #tpu.memory_space<vmem>>) semaphore(%arg13 : memref<!tpu.dma_semaphore, #tpu.memory_space<semaphore_mem>>)
    %scan3A_31 = arith.constant 0 : i32
    %scan3A_32 = arith.constant 0 : i32
    %scan3A_33 = arith.constant 40 : i32
    %scan3A_34 = arith.addi %scan3A_32, %scan3A_33 : i32
    %scan3A_35 = arith.constant 1 : i32
    scf.for %scan3A_70 = %scan3A_32 to %scan3A_34 step %scan3A_35  : i32 {
      %mul3A_71 = arith.constant 4 : i32
      %mul3A_72 = arith.muli %scan3A_70, %mul3A_71 : i32
      %add3A_73 = arith.constant 0 : i32
      %add3A_74 = arith.addi %mul3A_72, %add3A_73 : i32
      %dma_wait3A_75 = arith.constant 0 : i32
      %dma_wait3A_76 = arith.constant 0 : i32
      %dma_wait3A_77 = arith.constant 0 : i32
      %dma_wait3A_78 = tpu.memref_slice %arg9[%dma_wait3A_75, %dma_wait3A_76, %dma_wait3A_77] : memref<4x128x64xbf16, #tpu.memory_space<vmem>> -> memref<1x128x64xbf16, #tpu.memory_space<vmem>>
      %dma_wait3A_79 = tpu.memref_squeeze %dma_wait3A_78 : memref<1x128x64xbf16, #tpu.memory_space<vmem>> -> memref<128x64xbf16, #tpu.memory_space<vmem>>
      %dma_wait3A_80 = arith.constant 0 : i32
      %dma_wait3A_81 = tpu.memref_slice %arg7[%add3A_74, %dma_wait3A_80] : memref<160x128xi32, #tpu.memory_space<vmem>> -> memref<1x128xi32, #tpu.memory_space<vmem>>
      %dma_wait3A_82 = tpu.memref_squeeze %dma_wait3A_81 : memref<1x128xi32, #tpu.memory_space<vmem>> -> memref<128xi32, #tpu.memory_space<vmem>>
      %dma_wait3A_83 = arith.constant 0 : i32
      %dma_wait3A_84 = arith.constant 0 : i32
      %dma_wait3A_85 = tpu.memref_slice %arg10[%dma_wait3A_83, %dma_wait3A_84] : memref<10240x64xbf16, #tpu.memory_space<vmem_shared>> -> memref<10240x64xbf16, #tpu.memory_space<vmem_shared>>
      tpu.wait_indirect_dma semaphore(%arg12 : memref<!tpu.dma_semaphore, #tpu.memory_space<semaphore_mem>>) src(%dma_wait3A_85 : memref<10240x64xbf16, #tpu.memory_space<vmem_shared>>) dst(%dma_wait3A_79 : memref<128x64xbf16, #tpu.memory_space<vmem>>)
      %dma_start3A_86 = arith.constant 0 : i32
      %dma_start3A_87 = arith.constant 0 : i32
      %dma_start3A_88 = arith.constant 0 : i32
      %dma_start3A_89 = tpu.memref_slice %arg9[%dma_start3A_86, %dma_start3A_87, %dma_start3A_88] : memref<4x128x64xbf16, #tpu.memory_space<vmem>> -> memref<1x128x64xbf16, #tpu.memory_space<vmem>>
      %dma_start3A_90 = tpu.memref_squeeze %dma_start3A_89 : memref<1x128x64xbf16, #tpu.memory_space<vmem>> -> memref<128x64xbf16, #tpu.memory_space<vmem>>
      %dma_start3A_91 = arith.constant 0 : i32
      %dma_start3A_92 = tpu.memref_slice %arg8[%add3A_74, %dma_start3A_91] : memref<160x128xi32, #tpu.memory_space<vmem>> -> memref<1x128xi32, #tpu.memory_space<vmem>>
      %dma_start3A_93 = tpu.memref_squeeze %dma_start3A_92 : memref<1x128xi32, #tpu.memory_space<vmem>> -> memref<128xi32, #tpu.memory_space<vmem>>
      %dma_start3A_94 = arith.constant 0 : i32
      %dma_start3A_95 = arith.constant 0 : i32
      %dma_start3A_96 = tpu.memref_slice %arg11[%dma_start3A_94, %dma_start3A_95] : memref<10240x64xbf16, #tpu.memory_space<vmem_shared>> -> memref<10240x64xbf16, #tpu.memory_space<vmem_shared>>
      tpu.enqueue_indirect_dma source(%dma_start3A_90 : memref<128x64xbf16, #tpu.memory_space<vmem>>) target(%dma_start3A_96 : memref<10240x64xbf16, #tpu.memory_space<vmem_shared>>) offsets(%dma_start3A_93 : memref<128xi32, #tpu.memory_space<vmem>>) semaphore(%arg16 : memref<!tpu.dma_semaphore, #tpu.memory_space<semaphore_mem>>) {add = true}
      %add3A_97 = arith.constant 2 : i32
      %add3A_98 = arith.addi %add3A_74, %add3A_97 : i32
      %ge3A = arith.constant 4 : i32
      %ge3A_99 = arith.cmpi sge, %add3A_98, %ge3A : i32
      %convert_element_type3A = arith.extui %ge3A_99 : i1 to i32
      %cond3A = arith.constant 0 : i32
      %cond3A_100 = arith.cmpi ne, %convert_element_type3A, %cond3A : i32
      scf.if %cond3A_100 {
        %dma_wait3A_227 = arith.constant 2 : i32
        %dma_wait3A_228 = arith.constant 0 : i32
        %dma_wait3A_229 = arith.constant 0 : i32
        %dma_wait3A_230 = tpu.memref_slice %arg9[%dma_wait3A_227, %dma_wait3A_228, %dma_wait3A_229] : memref<4x128x64xbf16, #tpu.memory_space<vmem>> -> memref<1x128x64xbf16, #tpu.memory_space<vmem>>
        %dma_wait3A_231 = tpu.memref_squeeze %dma_wait3A_230 : memref<1x128x64xbf16, #tpu.memory_space<vmem>> -> memref<128x64xbf16, #tpu.memory_space<vmem>>
        %dma_wait3A_232 = arith.constant 0 : i32
        %dma_wait3A_233 = arith.constant 0 : i32
        %dma_wait3A_234 = tpu.memref_slice %arg5[%dma_wait3A_232, %dma_wait3A_233] : memref<10240x64xbf16, #tpu.memory_space<hbm>> -> memref<128x64xbf16, #tpu.memory_space<hbm>>
        %dma_wait3A_235 = arith.constant 0 : i32
        %dma_wait3A_236 = arith.constant 0 : i32
        %dma_wait3A_237 = tpu.memref_slice %arg9[%dma_wait3A_227, %dma_wait3A_235, %dma_wait3A_236] : memref<4x128x64xbf16, #tpu.memory_space<vmem>> -> memref<1x128x64xbf16, #tpu.memory_space<vmem>>
        %dma_wait3A_238 = tpu.memref_squeeze %dma_wait3A_237 : memref<1x128x64xbf16, #tpu.memory_space<vmem>> -> memref<128x64xbf16, #tpu.memory_space<vmem>>
        %dma_wait3A_239 = arith.constant 0 : i32
        %dma_wait3A_240 = arith.constant 0 : i32
        %dma_wait3A_241 = tpu.memref_slice %arg5[%dma_wait3A_239, %dma_wait3A_240] : memref<10240x64xbf16, #tpu.memory_space<hbm>> -> memref<128x64xbf16, #tpu.memory_space<hbm>>
        tpu.wait_dma2 semaphore(%arg18 : memref<!tpu.dma_semaphore, #tpu.memory_space<semaphore_mem>>) src(%dma_wait3A_241 : memref<128x64xbf16, #tpu.memory_space<hbm>>) dst(%dma_wait3A_238 : memref<128x64xbf16, #tpu.memory_space<vmem>>)
      } else {
      }
      %add3A_101 = arith.constant 2 : i32
      %add3A_102 = arith.addi %add3A_74, %add3A_101 : i32
      %lt3A = arith.constant 160 : i32
      %lt3A_103 = arith.cmpi slt, %add3A_102, %lt3A : i32
      %convert_element_type3A_104 = arith.extui %lt3A_103 : i1 to i32
      %cond3A_105 = arith.constant 0 : i32
      %cond3A_106 = arith.cmpi ne, %convert_element_type3A_104, %cond3A_105 : i32
      scf.if %cond3A_106 {
        %add3A_227 = arith.constant 2 : i32
        %add3A_228 = arith.addi %add3A_74, %add3A_227 : i32
        %dma_start3A_229 = arith.constant 2 : i32
        %dma_start3A_230 = arith.constant 0 : i32
        %dma_start3A_231 = arith.constant 0 : i32
        %dma_start3A_232 = tpu.memref_slice %arg9[%dma_start3A_229, %dma_start3A_230, %dma_start3A_231] : memref<4x128x64xbf16, #tpu.memory_space<vmem>> -> memref<1x128x64xbf16, #tpu.memory_space<vmem>>
        %dma_start3A_233 = tpu.memref_squeeze %dma_start3A_232 : memref<1x128x64xbf16, #tpu.memory_space<vmem>> -> memref<128x64xbf16, #tpu.memory_space<vmem>>
        %dma_start3A_234 = arith.constant 0 : i32
        %dma_start3A_235 = tpu.memref_slice %arg7[%add3A_228, %dma_start3A_234] : memref<160x128xi32, #tpu.memory_space<vmem>> -> memref<1x128xi32, #tpu.memory_space<vmem>>
        %dma_start3A_236 = tpu.memref_squeeze %dma_start3A_235 : memref<1x128xi32, #tpu.memory_space<vmem>> -> memref<128xi32, #tpu.memory_space<vmem>>
        %dma_start3A_237 = arith.constant 0 : i32
        %dma_start3A_238 = arith.constant 0 : i32
        %dma_start3A_239 = tpu.memref_slice %arg10[%dma_start3A_237, %dma_start3A_238] : memref<10240x64xbf16, #tpu.memory_space<vmem_shared>> -> memref<10240x64xbf16, #tpu.memory_space<vmem_shared>>
        tpu.enqueue_indirect_dma source(%dma_start3A_239 : memref<10240x64xbf16, #tpu.memory_space<vmem_shared>>) target(%dma_start3A_233 : memref<128x64xbf16, #tpu.memory_space<vmem>>) offsets(%dma_start3A_236 : memref<128xi32, #tpu.memory_space<vmem>>) semaphore(%arg14 : memref<!tpu.dma_semaphore, #tpu.memory_space<semaphore_mem>>)
      } else {
      }
      %mul3A_107 = arith.constant 4 : i32
      %mul3A_108 = arith.muli %scan3A_70, %mul3A_107 : i32
      %add3A_109 = arith.constant 1 : i32
      %add3A_110 = arith.addi %mul3A_108, %add3A_109 : i32
      %dma_wait3A_111 = arith.constant 1 : i32
      %dma_wait3A_112 = arith.constant 0 : i32
      %dma_wait3A_113 = arith.constant 0 : i32
      %dma_wait3A_114 = tpu.memref_slice %arg9[%dma_wait3A_111, %dma_wait3A_112, %dma_wait3A_113] : memref<4x128x64xbf16, #tpu.memory_space<vmem>> -> memref<1x128x64xbf16, #tpu.memory_space<vmem>>
      %dma_wait3A_115 = tpu.memref_squeeze %dma_wait3A_114 : memref<1x128x64xbf16, #tpu.memory_space<vmem>> -> memref<128x64xbf16, #tpu.memory_space<vmem>>
      %dma_wait3A_116 = arith.constant 0 : i32
      %dma_wait3A_117 = tpu.memref_slice %arg7[%add3A_110, %dma_wait3A_116] : memref<160x128xi32, #tpu.memory_space<vmem>> -> memref<1x128xi32, #tpu.memory_space<vmem>>
      %dma_wait3A_118 = tpu.memref_squeeze %dma_wait3A_117 : memref<1x128xi32, #tpu.memory_space<vmem>> -> memref<128xi32, #tpu.memory_space<vmem>>
      %dma_wait3A_119 = arith.constant 0 : i32
      %dma_wait3A_120 = arith.constant 0 : i32
      %dma_wait3A_121 = tpu.memref_slice %arg10[%dma_wait3A_119, %dma_wait3A_120] : memref<10240x64xbf16, #tpu.memory_space<vmem_shared>> -> memref<10240x64xbf16, #tpu.memory_space<vmem_shared>>
      tpu.wait_indirect_dma semaphore(%arg13 : memref<!tpu.dma_semaphore, #tpu.memory_space<semaphore_mem>>) src(%dma_wait3A_121 : memref<10240x64xbf16, #tpu.memory_space<vmem_shared>>) dst(%dma_wait3A_115 : memref<128x64xbf16, #tpu.memory_space<vmem>>)
      %dma_start3A_122 = arith.constant 1 : i32
      %dma_start3A_123 = arith.constant 0 : i32
      %dma_start3A_124 = arith.constant 0 : i32
      %dma_start3A_125 = tpu.memref_slice %arg9[%dma_start3A_122, %dma_start3A_123, %dma_start3A_124] : memref<4x128x64xbf16, #tpu.memory_space<vmem>> -> memref<1x128x64xbf16, #tpu.memory_space<vmem>>
      %dma_start3A_126 = tpu.memref_squeeze %dma_start3A_125 : memref<1x128x64xbf16, #tpu.memory_space<vmem>> -> memref<128x64xbf16, #tpu.memory_space<vmem>>
      %dma_start3A_127 = arith.constant 0 : i32
      %dma_start3A_128 = tpu.memref_slice %arg8[%add3A_110, %dma_start3A_127] : memref<160x128xi32, #tpu.memory_space<vmem>> -> memref<1x128xi32, #tpu.memory_space<vmem>>
      %dma_start3A_129 = tpu.memref_squeeze %dma_start3A_128 : memref<1x128xi32, #tpu.memory_space<vmem>> -> memref<128xi32, #tpu.memory_space<vmem>>
      %dma_start3A_130 = arith.constant 0 : i32
      %dma_start3A_131 = arith.constant 0 : i32
      %dma_start3A_132 = tpu.memref_slice %arg11[%dma_start3A_130, %dma_start3A_131] : memref<10240x64xbf16, #tpu.memory_space<vmem_shared>> -> memref<10240x64xbf16, #tpu.memory_space<vmem_shared>>
      tpu.enqueue_indirect_dma source(%dma_start3A_126 : memref<128x64xbf16, #tpu.memory_space<vmem>>) target(%dma_start3A_132 : memref<10240x64xbf16, #tpu.memory_space<vmem_shared>>) offsets(%dma_start3A_129 : memref<128xi32, #tpu.memory_space<vmem>>) semaphore(%arg17 : memref<!tpu.dma_semaphore, #tpu.memory_space<semaphore_mem>>) {add = true}
      %add3A_133 = arith.constant 2 : i32
      %add3A_134 = arith.addi %add3A_110, %add3A_133 : i32
      %ge3A_135 = arith.constant 4 : i32
      %ge3A_136 = arith.cmpi sge, %add3A_134, %ge3A_135 : i32
      %convert_element_type3A_137 = arith.extui %ge3A_136 : i1 to i32
      %cond3A_138 = arith.constant 0 : i32
      %cond3A_139 = arith.cmpi ne, %convert_element_type3A_137, %cond3A_138 : i32
      scf.if %cond3A_139 {
        %dma_wait3A_227 = arith.constant 3 : i32
        %dma_wait3A_228 = arith.constant 0 : i32
        %dma_wait3A_229 = arith.constant 0 : i32
        %dma_wait3A_230 = tpu.memref_slice %arg9[%dma_wait3A_227, %dma_wait3A_228, %dma_wait3A_229] : memref<4x128x64xbf16, #tpu.memory_space<vmem>> -> memref<1x128x64xbf16, #tpu.memory_space<vmem>>
        %dma_wait3A_231 = tpu.memref_squeeze %dma_wait3A_230 : memref<1x128x64xbf16, #tpu.memory_space<vmem>> -> memref<128x64xbf16, #tpu.memory_space<vmem>>
        %dma_wait3A_232 = arith.constant 0 : i32
        %dma_wait3A_233 = arith.constant 0 : i32
        %dma_wait3A_234 = tpu.memref_slice %arg5[%dma_wait3A_232, %dma_wait3A_233] : memref<10240x64xbf16, #tpu.memory_space<hbm>> -> memref<128x64xbf16, #tpu.memory_space<hbm>>
        %dma_wait3A_235 = arith.constant 0 : i32
        %dma_wait3A_236 = arith.constant 0 : i32
        %dma_wait3A_237 = tpu.memref_slice %arg9[%dma_wait3A_227, %dma_wait3A_235, %dma_wait3A_236] : memref<4x128x64xbf16, #tpu.memory_space<vmem>> -> memref<1x128x64xbf16, #tpu.memory_space<vmem>>
        %dma_wait3A_238 = tpu.memref_squeeze %dma_wait3A_237 : memref<1x128x64xbf16, #tpu.memory_space<vmem>> -> memref<128x64xbf16, #tpu.memory_space<vmem>>
        %dma_wait3A_239 = arith.constant 0 : i32
        %dma_wait3A_240 = arith.constant 0 : i32
        %dma_wait3A_241 = tpu.memref_slice %arg5[%dma_wait3A_239, %dma_wait3A_240] : memref<10240x64xbf16, #tpu.memory_space<hbm>> -> memref<128x64xbf16, #tpu.memory_space<hbm>>
        tpu.wait_dma2 semaphore(%arg19 : memref<!tpu.dma_semaphore, #tpu.memory_space<semaphore_mem>>) src(%dma_wait3A_241 : memref<128x64xbf16, #tpu.memory_space<hbm>>) dst(%dma_wait3A_238 : memref<128x64xbf16, #tpu.memory_space<vmem>>)
      } else {
      }
      %add3A_140 = arith.constant 2 : i32
      %add3A_141 = arith.addi %add3A_110, %add3A_140 : i32
      %lt3A_142 = arith.constant 160 : i32
      %lt3A_143 = arith.cmpi slt, %add3A_141, %lt3A_142 : i32
      %convert_element_type3A_144 = arith.extui %lt3A_143 : i1 to i32
      %cond3A_145 = arith.constant 0 : i32
      %cond3A_146 = arith.cmpi ne, %convert_element_type3A_144, %cond3A_145 : i32
      scf.if %cond3A_146 {
        %add3A_227 = arith.constant 2 : i32
        %add3A_228 = arith.addi %add3A_110, %add3A_227 : i32
        %dma_start3A_229 = arith.constant 3 : i32
        %dma_start3A_230 = arith.constant 0 : i32
        %dma_start3A_231 = arith.constant 0 : i32
        %dma_start3A_232 = tpu.memref_slice %arg9[%dma_start3A_229, %dma_start3A_230, %dma_start3A_231] : memref<4x128x64xbf16, #tpu.memory_space<vmem>> -> memref<1x128x64xbf16, #tpu.memory_space<vmem>>
        %dma_start3A_233 = tpu.memref_squeeze %dma_start3A_232 : memref<1x128x64xbf16, #tpu.memory_space<vmem>> -> memref<128x64xbf16, #tpu.memory_space<vmem>>
        %dma_start3A_234 = arith.constant 0 : i32
        %dma_start3A_235 = tpu.memref_slice %arg7[%add3A_228, %dma_start3A_234] : memref<160x128xi32, #tpu.memory_space<vmem>> -> memref<1x128xi32, #tpu.memory_space<vmem>>
        %dma_start3A_236 = tpu.memref_squeeze %dma_start3A_235 : memref<1x128xi32, #tpu.memory_space<vmem>> -> memref<128xi32, #tpu.memory_space<vmem>>
        %dma_start3A_237 = arith.constant 0 : i32
        %dma_start3A_238 = arith.constant 0 : i32
        %dma_start3A_239 = tpu.memref_slice %arg10[%dma_start3A_237, %dma_start3A_238] : memref<10240x64xbf16, #tpu.memory_space<vmem_shared>> -> memref<10240x64xbf16, #tpu.memory_space<vmem_shared>>
        tpu.enqueue_indirect_dma source(%dma_start3A_239 : memref<10240x64xbf16, #tpu.memory_space<vmem_shared>>) target(%dma_start3A_233 : memref<128x64xbf16, #tpu.memory_space<vmem>>) offsets(%dma_start3A_236 : memref<128xi32, #tpu.memory_space<vmem>>) semaphore(%arg15 : memref<!tpu.dma_semaphore, #tpu.memory_space<semaphore_mem>>)
      } else {
      }
      %mul3A_147 = arith.constant 4 : i32
      %mul3A_148 = arith.muli %scan3A_70, %mul3A_147 : i32
      %add3A_149 = arith.constant 2 : i32
      %add3A_150 = arith.addi %mul3A_148, %add3A_149 : i32
      %dma_wait3A_151 = arith.constant 2 : i32
      %dma_wait3A_152 = arith.constant 0 : i32
      %dma_wait3A_153 = arith.constant 0 : i32
      %dma_wait3A_154 = tpu.memref_slice %arg9[%dma_wait3A_151, %dma_wait3A_152, %dma_wait3A_153] : memref<4x128x64xbf16, #tpu.memory_space<vmem>> -> memref<1x128x64xbf16, #tpu.memory_space<vmem>>
      %dma_wait3A_155 = tpu.memref_squeeze %dma_wait3A_154 : memref<1x128x64xbf16, #tpu.memory_space<vmem>> -> memref<128x64xbf16, #tpu.memory_space<vmem>>
      %dma_wait3A_156 = arith.constant 0 : i32
      %dma_wait3A_157 = tpu.memref_slice %arg7[%add3A_150, %dma_wait3A_156] : memref<160x128xi32, #tpu.memory_space<vmem>> -> memref<1x128xi32, #tpu.memory_space<vmem>>
      %dma_wait3A_158 = tpu.memref_squeeze %dma_wait3A_157 : memref<1x128xi32, #tpu.memory_space<vmem>> -> memref<128xi32, #tpu.memory_space<vmem>>
      %dma_wait3A_159 = arith.constant 0 : i32
      %dma_wait3A_160 = arith.constant 0 : i32
      %dma_wait3A_161 = tpu.memref_slice %arg10[%dma_wait3A_159, %dma_wait3A_160] : memref<10240x64xbf16, #tpu.memory_space<vmem_shared>> -> memref<10240x64xbf16, #tpu.memory_space<vmem_shared>>
      tpu.wait_indirect_dma semaphore(%arg14 : memref<!tpu.dma_semaphore, #tpu.memory_space<semaphore_mem>>) src(%dma_wait3A_161 : memref<10240x64xbf16, #tpu.memory_space<vmem_shared>>) dst(%dma_wait3A_155 : memref<128x64xbf16, #tpu.memory_space<vmem>>)
      %dma_start3A_162 = arith.constant 2 : i32
      %dma_start3A_163 = arith.constant 0 : i32
      %dma_start3A_164 = arith.constant 0 : i32
      %dma_start3A_165 = tpu.memref_slice %arg9[%dma_start3A_162, %dma_start3A_163, %dma_start3A_164] : memref<4x128x64xbf16, #tpu.memory_space<vmem>> -> memref<1x128x64xbf16, #tpu.memory_space<vmem>>
      %dma_start3A_166 = tpu.memref_squeeze %dma_start3A_165 : memref<1x128x64xbf16, #tpu.memory_space<vmem>> -> memref<128x64xbf16, #tpu.memory_space<vmem>>
      %dma_start3A_167 = arith.constant 0 : i32
      %dma_start3A_168 = tpu.memref_slice %arg8[%add3A_150, %dma_start3A_167] : memref<160x128xi32, #tpu.memory_space<vmem>> -> memref<1x128xi32, #tpu.memory_space<vmem>>
      %dma_start3A_169 = tpu.memref_squeeze %dma_start3A_168 : memref<1x128xi32, #tpu.memory_space<vmem>> -> memref<128xi32, #tpu.memory_space<vmem>>
      %dma_start3A_170 = arith.constant 0 : i32
      %dma_start3A_171 = arith.constant 0 : i32
      %dma_start3A_172 = tpu.memref_slice %arg11[%dma_start3A_170, %dma_start3A_171] : memref<10240x64xbf16, #tpu.memory_space<vmem_shared>> -> memref<10240x64xbf16, #tpu.memory_space<vmem_shared>>
      tpu.enqueue_indirect_dma source(%dma_start3A_166 : memref<128x64xbf16, #tpu.memory_space<vmem>>) target(%dma_start3A_172 : memref<10240x64xbf16, #tpu.memory_space<vmem_shared>>) offsets(%dma_start3A_169 : memref<128xi32, #tpu.memory_space<vmem>>) semaphore(%arg18 : memref<!tpu.dma_semaphore, #tpu.memory_space<semaphore_mem>>) {add = true}
      %add3A_173 = arith.constant 2 : i32
      %add3A_174 = arith.addi %add3A_150, %add3A_173 : i32
      %ge3A_175 = arith.constant 4 : i32
      %ge3A_176 = arith.cmpi sge, %add3A_174, %ge3A_175 : i32
      %convert_element_type3A_177 = arith.extui %ge3A_176 : i1 to i32
      %cond3A_178 = arith.constant 0 : i32
      %cond3A_179 = arith.cmpi ne, %convert_element_type3A_177, %cond3A_178 : i32
      scf.if %cond3A_179 {
        %dma_wait3A_227 = arith.constant 0 : i32
        %dma_wait3A_228 = arith.constant 0 : i32
        %dma_wait3A_229 = arith.constant 0 : i32
        %dma_wait3A_230 = tpu.memref_slice %arg9[%dma_wait3A_227, %dma_wait3A_228, %dma_wait3A_229] : memref<4x128x64xbf16, #tpu.memory_space<vmem>> -> memref<1x128x64xbf16, #tpu.memory_space<vmem>>
        %dma_wait3A_231 = tpu.memref_squeeze %dma_wait3A_230 : memref<1x128x64xbf16, #tpu.memory_space<vmem>> -> memref<128x64xbf16, #tpu.memory_space<vmem>>
        %dma_wait3A_232 = arith.constant 0 : i32
        %dma_wait3A_233 = arith.constant 0 : i32
        %dma_wait3A_234 = tpu.memref_slice %arg5[%dma_wait3A_232, %dma_wait3A_233] : memref<10240x64xbf16, #tpu.memory_space<hbm>> -> memref<128x64xbf16, #tpu.memory_space<hbm>>
        %dma_wait3A_235 = arith.constant 0 : i32
        %dma_wait3A_236 = arith.constant 0 : i32
        %dma_wait3A_237 = tpu.memref_slice %arg9[%dma_wait3A_227, %dma_wait3A_235, %dma_wait3A_236] : memref<4x128x64xbf16, #tpu.memory_space<vmem>> -> memref<1x128x64xbf16, #tpu.memory_space<vmem>>
        %dma_wait3A_238 = tpu.memref_squeeze %dma_wait3A_237 : memref<1x128x64xbf16, #tpu.memory_space<vmem>> -> memref<128x64xbf16, #tpu.memory_space<vmem>>
        %dma_wait3A_239 = arith.constant 0 : i32
        %dma_wait3A_240 = arith.constant 0 : i32
        %dma_wait3A_241 = tpu.memref_slice %arg5[%dma_wait3A_239, %dma_wait3A_240] : memref<10240x64xbf16, #tpu.memory_space<hbm>> -> memref<128x64xbf16, #tpu.memory_space<hbm>>
        tpu.wait_dma2 semaphore(%arg16 : memref<!tpu.dma_semaphore, #tpu.memory_space<semaphore_mem>>) src(%dma_wait3A_241 : memref<128x64xbf16, #tpu.memory_space<hbm>>) dst(%dma_wait3A_238 : memref<128x64xbf16, #tpu.memory_space<vmem>>)
      } else {
      }
      %add3A_180 = arith.constant 2 : i32
      %add3A_181 = arith.addi %add3A_150, %add3A_180 : i32
      %lt3A_182 = arith.constant 160 : i32
      %lt3A_183 = arith.cmpi slt, %add3A_181, %lt3A_182 : i32
      %convert_element_type3A_184 = arith.extui %lt3A_183 : i1 to i32
      %cond3A_185 = arith.constant 0 : i32
      %cond3A_186 = arith.cmpi ne, %convert_element_type3A_184, %cond3A_185 : i32
      scf.if %cond3A_186 {
        %add3A_227 = arith.constant 2 : i32
        %add3A_228 = arith.addi %add3A_150, %add3A_227 : i32
        %dma_start3A_229 = arith.constant 0 : i32
        %dma_start3A_230 = arith.constant 0 : i32
        %dma_start3A_231 = arith.constant 0 : i32
        %dma_start3A_232 = tpu.memref_slice %arg9[%dma_start3A_229, %dma_start3A_230, %dma_start3A_231] : memref<4x128x64xbf16, #tpu.memory_space<vmem>> -> memref<1x128x64xbf16, #tpu.memory_space<vmem>>
        %dma_start3A_233 = tpu.memref_squeeze %dma_start3A_232 : memref<1x128x64xbf16, #tpu.memory_space<vmem>> -> memref<128x64xbf16, #tpu.memory_space<vmem>>
        %dma_start3A_234 = arith.constant 0 : i32
        %dma_start3A_235 = tpu.memref_slice %arg7[%add3A_228, %dma_start3A_234] : memref<160x128xi32, #tpu.memory_space<vmem>> -> memref<1x128xi32, #tpu.memory_space<vmem>>
        %dma_start3A_236 = tpu.memref_squeeze %dma_start3A_235 : memref<1x128xi32, #tpu.memory_space<vmem>> -> memref<128xi32, #tpu.memory_space<vmem>>
        %dma_start3A_237 = arith.constant 0 : i32
        %dma_start3A_238 = arith.constant 0 : i32
        %dma_start3A_239 = tpu.memref_slice %arg10[%dma_start3A_237, %dma_start3A_238] : memref<10240x64xbf16, #tpu.memory_space<vmem_shared>> -> memref<10240x64xbf16, #tpu.memory_space<vmem_shared>>
        tpu.enqueue_indirect_dma source(%dma_start3A_239 : memref<10240x64xbf16, #tpu.memory_space<vmem_shared>>) target(%dma_start3A_233 : memref<128x64xbf16, #tpu.memory_space<vmem>>) offsets(%dma_start3A_236 : memref<128xi32, #tpu.memory_space<vmem>>) semaphore(%arg12 : memref<!tpu.dma_semaphore, #tpu.memory_space<semaphore_mem>>)
      } else {
      }
      %mul3A_187 = arith.constant 4 : i32
      %mul3A_188 = arith.muli %scan3A_70, %mul3A_187 : i32
      %add3A_189 = arith.constant 3 : i32
      %add3A_190 = arith.addi %mul3A_188, %add3A_189 : i32
      %dma_wait3A_191 = arith.constant 3 : i32
      %dma_wait3A_192 = arith.constant 0 : i32
      %dma_wait3A_193 = arith.constant 0 : i32
      %dma_wait3A_194 = tpu.memref_slice %arg9[%dma_wait3A_191, %dma_wait3A_192, %dma_wait3A_193] : memref<4x128x64xbf16, #tpu.memory_space<vmem>> -> memref<1x128x64xbf16, #tpu.memory_space<vmem>>
      %dma_wait3A_195 = tpu.memref_squeeze %dma_wait3A_194 : memref<1x128x64xbf16, #tpu.memory_space<vmem>> -> memref<128x64xbf16, #tpu.memory_space<vmem>>
      %dma_wait3A_196 = arith.constant 0 : i32
      %dma_wait3A_197 = tpu.memref_slice %arg7[%add3A_190, %dma_wait3A_196] : memref<160x128xi32, #tpu.memory_space<vmem>> -> memref<1x128xi32, #tpu.memory_space<vmem>>
      %dma_wait3A_198 = tpu.memref_squeeze %dma_wait3A_197 : memref<1x128xi32, #tpu.memory_space<vmem>> -> memref<128xi32, #tpu.memory_space<vmem>>
      %dma_wait3A_199 = arith.constant 0 : i32
      %dma_wait3A_200 = arith.constant 0 : i32
      %dma_wait3A_201 = tpu.memref_slice %arg10[%dma_wait3A_199, %dma_wait3A_200] : memref<10240x64xbf16, #tpu.memory_space<vmem_shared>> -> memref<10240x64xbf16, #tpu.memory_space<vmem_shared>>
      tpu.wait_indirect_dma semaphore(%arg15 : memref<!tpu.dma_semaphore, #tpu.memory_space<semaphore_mem>>) src(%dma_wait3A_201 : memref<10240x64xbf16, #tpu.memory_space<vmem_shared>>) dst(%dma_wait3A_195 : memref<128x64xbf16, #tpu.memory_space<vmem>>)
      %dma_start3A_202 = arith.constant 3 : i32
      %dma_start3A_203 = arith.constant 0 : i32
      %dma_start3A_204 = arith.constant 0 : i32
      %dma_start3A_205 = tpu.memref_slice %arg9[%dma_start3A_202, %dma_start3A_203, %dma_start3A_204] : memref<4x128x64xbf16, #tpu.memory_space<vmem>> -> memref<1x128x64xbf16, #tpu.memory_space<vmem>>
      %dma_start3A_206 = tpu.memref_squeeze %dma_start3A_205 : memref<1x128x64xbf16, #tpu.memory_space<vmem>> -> memref<128x64xbf16, #tpu.memory_space<vmem>>
      %dma_start3A_207 = arith.constant 0 : i32
      %dma_start3A_208 = tpu.memref_slice %arg8[%add3A_190, %dma_start3A_207] : memref<160x128xi32, #tpu.memory_space<vmem>> -> memref<1x128xi32, #tpu.memory_space<vmem>>
      %dma_start3A_209 = tpu.memref_squeeze %dma_start3A_208 : memref<1x128xi32, #tpu.memory_space<vmem>> -> memref<128xi32, #tpu.memory_space<vmem>>
      %dma_start3A_210 = arith.constant 0 : i32
      %dma_start3A_211 = arith.constant 0 : i32
      %dma_start3A_212 = tpu.memref_slice %arg11[%dma_start3A_210, %dma_start3A_211] : memref<10240x64xbf16, #tpu.memory_space<vmem_shared>> -> memref<10240x64xbf16, #tpu.memory_space<vmem_shared>>
      tpu.enqueue_indirect_dma source(%dma_start3A_206 : memref<128x64xbf16, #tpu.memory_space<vmem>>) target(%dma_start3A_212 : memref<10240x64xbf16, #tpu.memory_space<vmem_shared>>) offsets(%dma_start3A_209 : memref<128xi32, #tpu.memory_space<vmem>>) semaphore(%arg19 : memref<!tpu.dma_semaphore, #tpu.memory_space<semaphore_mem>>) {add = true}
      %add3A_213 = arith.constant 2 : i32
      %add3A_214 = arith.addi %add3A_190, %add3A_213 : i32
      %ge3A_215 = arith.constant 4 : i32
      %ge3A_216 = arith.cmpi sge, %add3A_214, %ge3A_215 : i32
      %convert_element_type3A_217 = arith.extui %ge3A_216 : i1 to i32
      %cond3A_218 = arith.constant 0 : i32
      %cond3A_219 = arith.cmpi ne, %convert_element_type3A_217, %cond3A_218 : i32
      scf.if %cond3A_219 {
        %dma_wait3A_227 = arith.constant 1 : i32
        %dma_wait3A_228 = arith.constant 0 : i32
        %dma_wait3A_229 = arith.constant 0 : i32
        %dma_wait3A_230 = tpu.memref_slice %arg9[%dma_wait3A_227, %dma_wait3A_228, %dma_wait3A_229] : memref<4x128x64xbf16, #tpu.memory_space<vmem>> -> memref<1x128x64xbf16, #tpu.memory_space<vmem>>
        %dma_wait3A_231 = tpu.memref_squeeze %dma_wait3A_230 : memref<1x128x64xbf16, #tpu.memory_space<vmem>> -> memref<128x64xbf16, #tpu.memory_space<vmem>>
        %dma_wait3A_232 = arith.constant 0 : i32
        %dma_wait3A_233 = arith.constant 0 : i32
        %dma_wait3A_234 = tpu.memref_slice %arg5[%dma_wait3A_232, %dma_wait3A_233] : memref<10240x64xbf16, #tpu.memory_space<hbm>> -> memref<128x64xbf16, #tpu.memory_space<hbm>>
        %dma_wait3A_235 = arith.constant 0 : i32
        %dma_wait3A_236 = arith.constant 0 : i32
        %dma_wait3A_237 = tpu.memref_slice %arg9[%dma_wait3A_227, %dma_wait3A_235, %dma_wait3A_236] : memref<4x128x64xbf16, #tpu.memory_space<vmem>> -> memref<1x128x64xbf16, #tpu.memory_space<vmem>>
        %dma_wait3A_238 = tpu.memref_squeeze %dma_wait3A_237 : memref<1x128x64xbf16, #tpu.memory_space<vmem>> -> memref<128x64xbf16, #tpu.memory_space<vmem>>
        %dma_wait3A_239 = arith.constant 0 : i32
        %dma_wait3A_240 = arith.constant 0 : i32
        %dma_wait3A_241 = tpu.memref_slice %arg5[%dma_wait3A_239, %dma_wait3A_240] : memref<10240x64xbf16, #tpu.memory_space<hbm>> -> memref<128x64xbf16, #tpu.memory_space<hbm>>
        tpu.wait_dma2 semaphore(%arg17 : memref<!tpu.dma_semaphore, #tpu.memory_space<semaphore_mem>>) src(%dma_wait3A_241 : memref<128x64xbf16, #tpu.memory_space<hbm>>) dst(%dma_wait3A_238 : memref<128x64xbf16, #tpu.memory_space<vmem>>)
      } else {
      }
      %add3A_220 = arith.constant 2 : i32
      %add3A_221 = arith.addi %add3A_190, %add3A_220 : i32
      %lt3A_222 = arith.constant 160 : i32
      %lt3A_223 = arith.cmpi slt, %add3A_221, %lt3A_222 : i32
      %convert_element_type3A_224 = arith.extui %lt3A_223 : i1 to i32
      %cond3A_225 = arith.constant 0 : i32
      %cond3A_226 = arith.cmpi ne, %convert_element_type3A_224, %cond3A_225 : i32
      scf.if %cond3A_226 {
        %add3A_227 = arith.constant 2 : i32
        %add3A_228 = arith.addi %add3A_190, %add3A_227 : i32
        %dma_start3A_229 = arith.constant 1 : i32
        %dma_start3A_230 = arith.constant 0 : i32
        %dma_start3A_231 = arith.constant 0 : i32
        %dma_start3A_232 = tpu.memref_slice %arg9[%dma_start3A_229, %dma_start3A_230, %dma_start3A_231] : memref<4x128x64xbf16, #tpu.memory_space<vmem>> -> memref<1x128x64xbf16, #tpu.memory_space<vmem>>
        %dma_start3A_233 = tpu.memref_squeeze %dma_start3A_232 : memref<1x128x64xbf16, #tpu.memory_space<vmem>> -> memref<128x64xbf16, #tpu.memory_space<vmem>>
        %dma_start3A_234 = arith.constant 0 : i32
        %dma_start3A_235 = tpu.memref_slice %arg7[%add3A_228, %dma_start3A_234] : memref<160x128xi32, #tpu.memory_space<vmem>> -> memref<1x128xi32, #tpu.memory_space<vmem>>
        %dma_start3A_236 = tpu.memref_squeeze %dma_start3A_235 : memref<1x128xi32, #tpu.memory_space<vmem>> -> memref<128xi32, #tpu.memory_space<vmem>>
        %dma_start3A_237 = arith.constant 0 : i32
        %dma_start3A_238 = arith.constant 0 : i32
        %dma_start3A_239 = tpu.memref_slice %arg10[%dma_start3A_237, %dma_start3A_238] : memref<10240x64xbf16, #tpu.memory_space<vmem_shared>> -> memref<10240x64xbf16, #tpu.memory_space<vmem_shared>>
        tpu.enqueue_indirect_dma source(%dma_start3A_239 : memref<10240x64xbf16, #tpu.memory_space<vmem_shared>>) target(%dma_start3A_233 : memref<128x64xbf16, #tpu.memory_space<vmem>>) offsets(%dma_start3A_236 : memref<128xi32, #tpu.memory_space<vmem>>) semaphore(%arg13 : memref<!tpu.dma_semaphore, #tpu.memory_space<semaphore_mem>>)
      } else {
      }
    }
    %scan3A_36 = arith.constant 40 : i32
    %dma_wait3A = arith.constant 2 : i32
    %dma_wait3A_37 = arith.constant 0 : i32
    %dma_wait3A_38 = arith.constant 0 : i32
    %dma_wait3A_39 = tpu.memref_slice %arg9[%dma_wait3A, %dma_wait3A_37, %dma_wait3A_38] : memref<4x128x64xbf16, #tpu.memory_space<vmem>> -> memref<1x128x64xbf16, #tpu.memory_space<vmem>>
    %dma_wait3A_40 = tpu.memref_squeeze %dma_wait3A_39 : memref<1x128x64xbf16, #tpu.memory_space<vmem>> -> memref<128x64xbf16, #tpu.memory_space<vmem>>
    %dma_wait3A_41 = arith.constant 0 : i32
    %dma_wait3A_42 = arith.constant 0 : i32
    %dma_wait3A_43 = tpu.memref_slice %arg5[%dma_wait3A_41, %dma_wait3A_42] : memref<10240x64xbf16, #tpu.memory_space<hbm>> -> memref<128x64xbf16, #tpu.memory_space<hbm>>
    %dma_wait3A_44 = arith.constant 0 : i32
    %dma_wait3A_45 = arith.constant 0 : i32
    %dma_wait3A_46 = tpu.memref_slice %arg9[%dma_wait3A, %dma_wait3A_44, %dma_wait3A_45] : memref<4x128x64xbf16, #tpu.memory_space<vmem>> -> memref<1x128x64xbf16, #tpu.memory_space<vmem>>
    %dma_wait3A_47 = tpu.memref_squeeze %dma_wait3A_46 : memref<1x128x64xbf16, #tpu.memory_space<vmem>> -> memref<128x64xbf16, #tpu.memory_space<vmem>>
    %dma_wait3A_48 = arith.constant 0 : i32
    %dma_wait3A_49 = arith.constant 0 : i32
    %dma_wait3A_50 = tpu.memref_slice %arg5[%dma_wait3A_48, %dma_wait3A_49] : memref<10240x64xbf16, #tpu.memory_space<hbm>> -> memref<128x64xbf16, #tpu.memory_space<hbm>>
    tpu.wait_dma2 semaphore(%arg18 : memref<!tpu.dma_semaphore, #tpu.memory_space<semaphore_mem>>) src(%dma_wait3A_50 : memref<128x64xbf16, #tpu.memory_space<hbm>>) dst(%dma_wait3A_47 : memref<128x64xbf16, #tpu.memory_space<vmem>>)
    %dma_wait3A_51 = arith.constant 3 : i32
    %dma_wait3A_52 = arith.constant 0 : i32
    %dma_wait3A_53 = arith.constant 0 : i32
    %dma_wait3A_54 = tpu.memref_slice %arg9[%dma_wait3A_51, %dma_wait3A_52, %dma_wait3A_53] : memref<4x128x64xbf16, #tpu.memory_space<vmem>> -> memref<1x128x64xbf16, #tpu.memory_space<vmem>>
    %dma_wait3A_55 = tpu.memref_squeeze %dma_wait3A_54 : memref<1x128x64xbf16, #tpu.memory_space<vmem>> -> memref<128x64xbf16, #tpu.memory_space<vmem>>
    %dma_wait3A_56 = arith.constant 0 : i32
    %dma_wait3A_57 = arith.constant 0 : i32
    %dma_wait3A_58 = tpu.memref_slice %arg5[%dma_wait3A_56, %dma_wait3A_57] : memref<10240x64xbf16, #tpu.memory_space<hbm>> -> memref<128x64xbf16, #tpu.memory_space<hbm>>
    %dma_wait3A_59 = arith.constant 0 : i32
    %dma_wait3A_60 = arith.constant 0 : i32
    %dma_wait3A_61 = tpu.memref_slice %arg9[%dma_wait3A_51, %dma_wait3A_59, %dma_wait3A_60] : memref<4x128x64xbf16, #tpu.memory_space<vmem>> -> memref<1x128x64xbf16, #tpu.memory_space<vmem>>
    %dma_wait3A_62 = tpu.memref_squeeze %dma_wait3A_61 : memref<1x128x64xbf16, #tpu.memory_space<vmem>> -> memref<128x64xbf16, #tpu.memory_space<vmem>>
    %dma_wait3A_63 = arith.constant 0 : i32
    %dma_wait3A_64 = arith.constant 0 : i32
    %dma_wait3A_65 = tpu.memref_slice %arg5[%dma_wait3A_63, %dma_wait3A_64] : memref<10240x64xbf16, #tpu.memory_space<hbm>> -> memref<128x64xbf16, #tpu.memory_space<hbm>>
    tpu.wait_dma2 semaphore(%arg19 : memref<!tpu.dma_semaphore, #tpu.memory_space<semaphore_mem>>) src(%dma_wait3A_65 : memref<128x64xbf16, #tpu.memory_space<hbm>>) dst(%dma_wait3A_62 : memref<128x64xbf16, #tpu.memory_space<vmem>>)
    %scan3A_66 = arith.constant 1 : i32
    %barrier3A_67 = arith.constant 0 : index
    tpu.barrier barrier_id(%barrier3A_67)
    %mul3A_68 = arith.constant 64 : i32
    %mul3A_69 = arith.muli %arg0, %mul3A_68 : i32
    "tpu.region"() ({
      %run_scoped3A = tpu.sem_alloc : memref<!tpu.dma_semaphore, #tpu.memory_space<semaphore_mem>>
      %dma_start3A_70 = tpu.memref_slice %arg6[%mul3A_0, %mul3A_69] : memref<10240x128xbf16, #tpu.memory_space<hbm>> -> memref<640x64xbf16, #tpu.memory_space<hbm>>
      %dma_start3A_71 = arith.constant 0 : i32
      %dma_start3A_72 = tpu.memref_slice %arg11[%mul3A_0, %dma_start3A_71] : memref<10240x64xbf16, #tpu.memory_space<vmem_shared>> -> memref<640x64xbf16, #tpu.memory_space<vmem_shared>>
      tpu.enqueue_dma source(%dma_start3A_72 : memref<640x64xbf16, #tpu.memory_space<vmem_shared>>) target(%dma_start3A_70 : memref<640x64xbf16, #tpu.memory_space<hbm>>) target_semaphore(%run_scoped3A : memref<!tpu.dma_semaphore, #tpu.memory_space<semaphore_mem>>)
      %dma_wait3A_73 = tpu.memref_slice %arg6[%mul3A_0, %mul3A_69] : memref<10240x128xbf16, #tpu.memory_space<hbm>> -> memref<640x64xbf16, #tpu.memory_space<hbm>>
      %dma_wait3A_74 = arith.constant 0 : i32
      %dma_wait3A_75 = tpu.memref_slice %arg11[%mul3A_0, %dma_wait3A_74] : memref<10240x64xbf16, #tpu.memory_space<vmem_shared>> -> memref<640x64xbf16, #tpu.memory_space<vmem_shared>>
      tpu.wait_dma2 semaphore(%run_scoped3A : memref<!tpu.dma_semaphore, #tpu.memory_space<semaphore_mem>>) src(%dma_wait3A_75 : memref<640x64xbf16, #tpu.memory_space<vmem_shared>>) dst(%dma_wait3A_73 : memref<640x64xbf16, #tpu.memory_space<hbm>>)
      tpu.yield
    }) : () -> ()
    return
  }
}

module attributes {stable_mosaic.version = 14 : i64} {
  func.func @body(%arg0: i32, %arg1: memref<1024x128xf32, #tpu.memory_space<vmem>>, %arg2: memref<128x128xf32, #tpu.memory_space<vmem>>, %arg3: memref<1024x1xf32, #tpu.memory_space<vmem>>, %arg4: memref<1024x128xf32, #tpu.memory_space<vmem>>, %arg5: memref<1024x128xbf16, #tpu.memory_space<vmem>>) attributes {dimension_semantics = [#tpu.dimension_semantics<arbitrary>], iteration_bounds = array<i64: 10>, scalar_prefetch = 0 : i64, scratch_operands = 0 : i64, tpu.core_type = #tpu.core_type<tc>, window_params = [{transform_indices = @transform_0, window_bounds = array<i64: 1024, 128>}, {pipeline_mode = #tpu.pipeline_mode<synchronous>, transform_indices = @transform_1, window_bounds = array<i64: 128, 128>}, {transform_indices = @transform_2, window_bounds = array<i64: 1024, 1>}, {transform_indices = @transform_3, window_bounds = array<i64: 1024, 128>}, {transform_indices = @transform_4, window_bounds = array<i64: 1024, 128>}]} {
    %get3A = arith.constant 0 : index
    %get3A_0 = arith.constant 0 : index
    %get3A_1 = vector.load %arg3[%get3A, %get3A_0] : memref<1024x1xf32, #tpu.memory_space<vmem>>, vector<1024x1xf32>
    %rsqrt3A = math.rsqrt %get3A_1 : vector<1024x1xf32>
    %get3A_2 = arith.constant 0 : index
    %get3A_3 = arith.constant 0 : index
    %get3A_4 = vector.load %arg1[%get3A_2, %get3A_3] : memref<1024x128xf32, #tpu.memory_space<vmem>>, vector<1024x128xf32>
    %get3A_5 = arith.constant 0 : index
    %get3A_6 = arith.constant 0 : index
    %get3A_7 = vector.load %arg2[%get3A_5, %get3A_6] : memref<128x128xf32, #tpu.memory_space<vmem>>, vector<128x128xf32>
    %dot_general3A = arith.constant dense<0.000000e+00> : vector<1024x128xf32>
    %dot_general3A_8 = tpu.matmul %get3A_4, %get3A_7, %dot_general3A {dimension_numbers = #tpu.dot_dimension_numbers<[1], [0], [0], [1], [0, 0, 1, 1], [], []>, transpose_lhs_hint = false} : vector<1024x128xf32>, vector<128x128xf32>, vector<1024x128xf32> -> vector<1024x128xf32>
    %mul3A = vector.broadcast %rsqrt3A : vector<1024x1xf32> to vector<1024x128xf32>
    %mul3A_9 = arith.mulf %dot_general3A_8, %mul3A : vector<1024x128xf32>
    %swap3A = arith.constant 0 : index
    %swap3A_10 = arith.constant 0 : index
    %swap3A_11 = vector.load %arg4[%swap3A, %swap3A_10] : memref<1024x128xf32, #tpu.memory_space<vmem>>, vector<1024x128xf32>
    tpu.vector_store %arg4[%swap3A, %swap3A_10], %mul3A_9 {strides = array<i32>} : memref<1024x128xf32, #tpu.memory_space<vmem>>, vector<1024x128xf32>,
    %convert_element_type3A = arith.truncf %mul3A_9 : vector<1024x128xf32> to vector<1024x128xbf16>
    %swap3A_12 = arith.constant 0 : index
    %swap3A_13 = arith.constant 0 : index
    %swap3A_14 = vector.load %arg5[%swap3A_12, %swap3A_13] : memref<1024x128xbf16, #tpu.memory_space<vmem>>, vector<1024x128xbf16>
    tpu.vector_store %arg5[%swap3A_12, %swap3A_13], %convert_element_type3A {strides = array<i32>} : memref<1024x128xbf16, #tpu.memory_space<vmem>>, vector<1024x128xbf16>,
    return
  }
  func.func @transform_0(%arg0: i32) -> (i32, i32) {
    %c0_i32 = arith.constant 0 : i32
    %c0_i32_0 = arith.constant 0 : i32
    return %arg0, %c0_i32 : i32, i32
  }
  func.func @transform_1(%arg0: i32) -> (i32, i32) {
    %c0_i32 = arith.constant 0 : i32
    %c0_i32_0 = arith.constant 0 : i32
    %c0_i32_1 = arith.constant 0 : i32
    return %c0_i32, %c0_i32_0 : i32, i32
  }
  func.func @transform_2(%arg0: i32) -> (i32, i32) {
    %c0_i32 = arith.constant 0 : i32
    %c0_i32_0 = arith.constant 0 : i32
    return %arg0, %c0_i32 : i32, i32
  }
  func.func @transform_3(%arg0: i32) -> (i32, i32) {
    %c0_i32 = arith.constant 0 : i32
    %c0_i32_0 = arith.constant 0 : i32
    return %arg0, %c0_i32 : i32, i32
  }
  func.func @transform_4(%arg0: i32) -> (i32, i32) {
    %c0_i32 = arith.constant 0 : i32
    %c0_i32_0 = arith.constant 0 : i32
    return %arg0, %c0_i32 : i32, i32
  }
}

module attributes {stable_mosaic.version = 14 : i64} {
  func.func @body(%arg0: i32, %arg1: memref<1024x128xbf16, #tpu.memory_space<vmem>>, %arg2: memref<1024x128xf32, #tpu.memory_space<vmem>>, %arg3: memref<1024x1xf32, #tpu.memory_space<vmem>>, %arg4: memref<1x128xf32, #tpu.memory_space<vmem>>, %arg5: memref<1024x128xf32, #tpu.memory_space<vmem>>) attributes {dimension_semantics = [#tpu.dimension_semantics<arbitrary>], iteration_bounds = array<i64: 10>, scalar_prefetch = 0 : i64, scratch_operands = 0 : i64, tpu.core_type = #tpu.core_type<tc>, window_params = [{transform_indices = @transform_0, window_bounds = array<i64: 1024, 128>}, {transform_indices = @transform_1, window_bounds = array<i64: 1024, 128>}, {transform_indices = @transform_2, window_bounds = array<i64: 1024, 1>}, {pipeline_mode = #tpu.pipeline_mode<synchronous>, transform_indices = @transform_3, window_bounds = array<i64: 1, 128>}, {transform_indices = @transform_4, window_bounds = array<i64: 1024, 128>}]} {
    %get3A = arith.constant 0 : index
    %get3A_0 = arith.constant 0 : index
    %get3A_1 = vector.load %arg3[%get3A, %get3A_0] : memref<1024x1xf32, #tpu.memory_space<vmem>>, vector<1024x1xf32>
    %rsqrt3A = math.rsqrt %get3A_1 : vector<1024x1xf32>
    %get3A_2 = arith.constant 0 : index
    %get3A_3 = arith.constant 0 : index
    %get3A_4 = vector.load %arg1[%get3A_2, %get3A_3] : memref<1024x128xbf16, #tpu.memory_space<vmem>>, vector<1024x128xbf16>
    %convert_element_type3A = arith.extf %get3A_4 : vector<1024x128xbf16> to vector<1024x128xf32>
    %get3A_5 = arith.constant 0 : index
    %get3A_6 = arith.constant 0 : index
    %get3A_7 = vector.load %arg2[%get3A_5, %get3A_6] : memref<1024x128xf32, #tpu.memory_space<vmem>>, vector<1024x128xf32>
    %add3A = arith.addf %convert_element_type3A, %get3A_7 : vector<1024x128xf32>
    %mul3A = vector.broadcast %rsqrt3A : vector<1024x1xf32> to vector<1024x128xf32>
    %mul3A_8 = arith.mulf %add3A, %mul3A : vector<1024x128xf32>
    %get3A_9 = arith.constant 0 : index
    %get3A_10 = arith.constant 0 : index
    %get3A_11 = vector.load %arg4[%get3A_9, %get3A_10] : memref<1x128xf32, #tpu.memory_space<vmem>>, vector<1x128xf32>
    %add3A_12 = vector.broadcast %get3A_11 : vector<1x128xf32> to vector<1024x128xf32>
    %add3A_13 = arith.addf %mul3A_8, %add3A_12 : vector<1024x128xf32>
    %max3A = arith.constant 0.000000e+00 : f32
    %max3A_14 = vector.broadcast %max3A : f32 to vector<1024x128xf32>
    %max3A_15 = arith.maximumf %add3A_13, %max3A_14 : vector<1024x128xf32>
    %swap3A = arith.constant 0 : index
    %swap3A_16 = arith.constant 0 : index
    %swap3A_17 = vector.load %arg5[%swap3A, %swap3A_16] : memref<1024x128xf32, #tpu.memory_space<vmem>>, vector<1024x128xf32>
    tpu.vector_store %arg5[%swap3A, %swap3A_16], %max3A_15 {strides = array<i32>} : memref<1024x128xf32, #tpu.memory_space<vmem>>, vector<1024x128xf32>,
    return
  }
  func.func @transform_0(%arg0: i32) -> (i32, i32) {
    %c0_i32 = arith.constant 0 : i32
    %c0_i32_0 = arith.constant 0 : i32
    return %arg0, %c0_i32 : i32, i32
  }
  func.func @transform_1(%arg0: i32) -> (i32, i32) {
    %c0_i32 = arith.constant 0 : i32
    %c0_i32_0 = arith.constant 0 : i32
    return %arg0, %c0_i32 : i32, i32
  }
  func.func @transform_2(%arg0: i32) -> (i32, i32) {
    %c0_i32 = arith.constant 0 : i32
    %c0_i32_0 = arith.constant 0 : i32
    return %arg0, %c0_i32 : i32, i32
  }
  func.func @transform_3(%arg0: i32) -> (i32, i32) {
    %c0_i32 = arith.constant 0 : i32
    %c0_i32_0 = arith.constant 0 : i32
    %c0_i32_1 = arith.constant 0 : i32
    return %c0_i32, %c0_i32_0 : i32, i32
  }
  func.func @transform_4(%arg0: i32) -> (i32, i32) {
    %c0_i32 = arith.constant 0 : i32
    %c0_i32_0 = arith.constant 0 : i32
    return %arg0, %c0_i32 : i32, i32
  }
}

</mosaic_0001>

<sc_bundles>
// kernel: kernel.6.cloned.1.call-start
scs
__scs_entry_jumppad:
0x0: {  	(pc) =	sbr.rel $0x88, $3  }
0x1: {  	(tag) =	ssettag $0x0;
	lr =	simm.s32 $0x1  }
0x2: {  	[smem:$0x3F9D] =	sst lr;
	_ =	strace $0xD0000000  }
0x3: {  	_ = 	snop  }
0x4: {  	_ = 	snop  }
0x5: {  	_ = 	snop  }
0x6: {  	_ = 	snop  }
0x7: {  	_ = 	snop  }
__scs_overlays_trampoline_lowered:
0x8: {  	[smem:$0x3FAC] =	sst s0  }
0x9: {  	[smem:$0x3FAD] =	sst s1  }
0xa: {  	[smem:$0x3FAE] =	sst s2  }
0xb: {  	[smem:$0x3FAF] =	sst s3  }
0xc: {  	[smem:$0x3FB0] =	sst s4  }
0xd: {  	[smem:$0x3FB1] =	sst s5  }
0xe: {  	[smem:$0x3FB2] =	sst s6  }
0xf: {  	[smem:$0x3FB3] =	sst s7  }
0x10: {  	[smem:$0x3FB4] =	sst s8  }
0x11: {  	[smem:$0x3FB5] =	sst s9;
	s0 =	simm.s32 @!p0 $0x0  }
0x12: {  	s1 =	sld [smem:$0x3F9B];
	s0 =	simm.s32 @p0 $0x1  }
0x13: {  	[smem:$0x3FB6] =	sst s0;
	s0 =	simm.s32 @!p1 $0x0  }
0x14: {  	s2 =	sld [smem:$0x3F9A];
	s0 =	simm.s32 @p1 $0x1  }
0x15: {  	[smem:$0x3FB7] =	sst s0;
	s0 =	simm.s32 @!p2 $0x0  }
0x16: {  	s3 =	sld [smem:$0x3FDB];
	s0 =	simm.s32 @p2 $0x1  }
0x17: {  	s4 =	simm.s32 $0x1BF5;
	[smem:$0x3FB9] =	sst s0  }
0x18: {  	s0 =	sld [smem:$0x3F9C];
	_ =	swait.ge [sflag:s4], $0x0  }
0x19: {  	s7 =	sld [smem:$0x3F9D]  }
0x1a: {  	s8 =	sadd.s32 $0xFFFFE003, lr  }
0x1b: {  	s9 =	sadd.s32 $0xFFFFFEF7, lr;
	s5 =	simm.s32 $0xFFFFFFFF;
	p2 =	slt.u32 s8, $0xFFFFF086  }
0x1c: {  	p1 =	slt.u32 s9, $0xF7A;
	s5 =	simm.s32 @!p2 $0x0  }
0x1d: {  	s5 =	simm.s32 @p1 $0x1;
	p0 =	seq.s32 s7, s2  }
0x1e: {  	s7 =	smul.u32 @!p0 $0xF7A, s2;
	p2 =	seq.s32 @!p0 s5, $0x0  }
0x1f: {  	s9 =	smul.u32 $0xF7A, s1;
	s8 =	simm.s32 @!p0 $0x1BF5;
	p2 =	por !p2, p0  }
0x20: {  	[sflag:s8] =	ssyncset.s32 @!p0 $0xFFFFF086;
	s6 =	sadd.s32 @!p0 s3, s7;
	s7 =	simm.s32 @!p0 $0x108  }
0x21: {  	s3 =	sadd.s32 s3, s9;
	s6 =	sadd.s32 @!p0 $0x88, s6;
	s7 =	simm.s32 @p2 $0x1082  }
0x22: {  	[simem:s7], [sflag:s8] =	dma.local @!p0 [hbm:s6], $0xF7A  }
0x23: {  	s9 =	sor.u32 $0xD0000000, s2;
	s6 =	simm.s32 $0x108;
	_ =	swait.ge @!p0 [sflag:s8], $0x0  }
0x24: {  	s3 =	sadd.s32 $0x88, s3;
	s6 =	simm.s32 @!p1 $0x1082;
	[sflag:s4] =	ssyncset.s32 $0xFFFFF086  }
0x25: {  	[simem:s6], [sflag:s4] =	dma.local [hbm:s3], $0xF7A  }
0x26: {  	[smem:$0x3F9D] =	sst s1;
	(tag) =	ssettag s2;
	_ =	strace s9  }
0x27: {  	s1 =	sld [smem:$0x3FAD]  }
0x28: {  	s2 =	sld [smem:$0x3FAE]  }
0x29: {  	s4 =	sld [smem:$0x3FB0]  }
0x2a: {  	p0 =	seq.s32 s5, $0x0;
	s5 =	sld [smem:$0x3FB1]  }
0x2b: {  	s6 =	sld [smem:$0x3FB2]  }
0x2c: {  	s7 =	sld [smem:$0x3FB3]  }
0x2d: {  	s3 =	simm.s32 $0x108;
	s8 =	sld [smem:$0x3FB4]  }
0x2e: {  	s3 =	simm.s32 @!p0 $0x1082;
	s9 =	sld [smem:$0x3FB5]  }
0x2f: {  	lr =	sadd.s32 s0, s3;
	s0 =	sld [smem:$0x3FAC]  }
0x30: {  	s3 =	sld [smem:$0x3FAF]  }
0x31: {  	[smem:$0x3FB8] =	sst s10  }
0x32: {  	s10 =	sld [smem:$0x3FB6];
	_ =	sdelay $0x3  }
0x33: {  	p0 =	seq.s32 s10, $0x1;
	s10 =	sld [smem:$0x3FB8];
	_ =	sdelay $0x3  }
0x34: {  	[smem:$0x3FB8] =	sst s10  }
0x35: {  	s10 =	sld [smem:$0x3FB7];
	_ =	sdelay $0x3  }
0x36: {  	p1 =	seq.s32 s10, $0x1;
	s10 =	sld [smem:$0x3FB8];
	_ =	sdelay $0x3  }
0x37: {  	[smem:$0x3FB8] =	sst s10  }
0x38: {  	s10 =	sld [smem:$0x3FB9]  }
0x39: {  	_ = 	snop;
	(pc) =	sbr.ind lr, $3  }
0x3a: {  	_ = 	snop  }
0x3b: {  	_ = 	snop  }
0x3c: {  	p2 =	seq.s32 s10, $0x1;
	s10 =	sld [smem:$0x3FB8]  }
0x3d: {  	_ =	shalt  }
0x3e: {  	_ =	shalt  }
0x3f: {  	_ =	shalt  }
0x40: {  	_ =	shalt  }
0x41: {  	_ =	shalt  }
0x42: {  	_ =	shalt  }
0x43: {  	_ =	shalt  }
0x44: {  	_ =	shalt  }
0x45: {  	_ =	shalt  }
0x46: {  	_ =	shalt  }
0x47: {  	_ =	shalt  }
0x48: {  	_ =	shalt  }
0x49: {  	_ =	shalt  }
0x4a: {  	_ =	shalt  }
0x4b: {  	_ =	shalt  }
0x4c: {  	_ =	shalt  }
0x4d: {  	_ =	shalt  }
0x4e: {  	_ =	shalt  }
0x4f: {  	_ =	shalt  }
0x50: {  	_ =	shalt  }
0x51: {  	_ =	shalt  }
0x52: {  	_ =	shalt  }
0x53: {  	_ =	shalt  }
0x54: {  	_ =	shalt  }
0x55: {  	_ =	shalt  }
0x56: {  	_ =	shalt  }
0x57: {  	_ =	shalt  }
0x58: {  	_ =	shalt  }
0x59: {  	_ =	shalt  }
0x5a: {  	_ =	shalt  }
0x5b: {  	_ =	shalt  }
0x5c: {  	_ =	shalt  }
0x5d: {  	_ =	shalt  }
0x5e: {  	_ =	shalt  }
0x5f: {  	_ =	shalt  }
0x60: {  	_ =	shalt  }
0x61: {  	_ =	shalt  }
0x62: {  	_ =	shalt  }
0x63: {  	_ =	shalt  }
0x64: {  	_ =	shalt  }
0x65: {  	_ =	shalt  }
0x66: {  	_ =	shalt  }
0x67: {  	_ =	shalt  }
0x68: {  	_ =	shalt  }
0x69: {  	_ =	shalt  }
0x6a: {  	_ =	shalt  }
0x6b: {  	_ =	shalt  }
0x6c: {  	_ =	shalt  }
0x6d: {  	_ =	shalt  }
0x6e: {  	_ =	shalt  }
0x6f: {  	_ =	shalt  }
0x70: {  	_ =	shalt  }
0x71: {  	_ =	shalt  }
0x72: {  	_ =	shalt  }
0x73: {  	_ =	shalt  }
0x74: {  	_ =	shalt  }
0x75: {  	_ =	shalt  }
0x76: {  	_ =	shalt  }
0x77: {  	_ =	shalt  }
0x78: {  	_ =	shalt  }
0x79: {  	_ =	shalt  }
0x7a: {  	_ =	shalt  }
0x7b: {  	_ =	shalt  }
0x7c: {  	_ =	shalt  }
0x7d: {  	_ =	shalt  }
0x7e: {  	_ =	shalt  }
0x7f: {  	_ =	shalt  }
0x80: {  	_ =	shalt  }
0x81: {  	_ =	shalt  }
0x82: {  	_ =	shalt  }
0x83: {  	_ =	shalt  }
0x84: {  	_ =	shalt  }
0x85: {  	_ =	shalt  }
0x86: {  	_ =	shalt  }
0x87: {  	_ =	shalt  }
.Lfunc_end0:
.L_simem_size_0:
called_computation_lowered:
.L_overlay_start_0:
0x88: {  	s2 =	sld [smem:$0x3FD9]  }
0x89: {  	s3 =	sld [smem:$0x3FFE];
	_ =	sdelay $0x1  }
0x8a: {  	s1 =	srdreg.scid  }
0x8b: {  	s0 =	sand.u32 $0x1, s1  }
0x8c: {  	s17 =	sshll.u32 s0, $0xA;
	s2 =	sadd.s32 s3, s2  }
0x8d: {  	s2 =	sadd.s32 s2, s17  }
0x8e: {  	[smem:$0x3FC4] =	sst s2  }
0x8f: {  	_ = 	snop  }
0x90: {  	s2 =	sld [smem:$0x3FD0];
	(tm) =	ssettm $0x1  }
0x91: {  	s18 =	sld [smem:$0x3FFB];
	_ =	sdelay $0x3  }
0x92: {  	_ =	strace s18  }
0x93: {  	s3 =	sld [smem:$0x3FFC];
	_ =	sdelay $0x3  }
0x94: {  	_ =	strace s3  }
0x95: {  	s3 =	sld [smem:$0x3FFD];
	_ =	sdelay $0x3  }
0x96: {  	_ =	strace s3  }
0x97: {  	_ =	strace $0x8FFFFFFF  }
0x98: {  	s19 =	sld [smem:$0x3FDB];
	_ =	sdelay $0x1  }
0x99: {  	s4 =	simm.s32 $_scs_section_size  }
0x9a: {  	s5 =	simm.s32 $_size__tile_overlayer_lowered;
	s6 =	simm.s32 $_tile_overlayer_lowered  }
0x9b: {  	s22 =	simm.s32 $0x1BFF;
	s21 =	sshll.u32 s6, $0x1;
	s3 =	sadd.s32 s4, s19  }
0x9c: {  	s7 =	simm.s32 $0x0;
	s20 =	sshll.u32 s5, $0x1;
	s5 =	sadd.s32 s21, s3  }
0x9d: {  	[timem:s7], [sflag:s22] =	dma.local [hbm:s5], s20  }
0x9e: {  	_ =	swait.ge [sflag:s22], s20  }
0x9f: {  	s4 =	ssub.s32 $0x0, s20;
	[sflag:s22] =	ssyncset.done $0x0  }
0xa0: {  	[sflag:s22] =	ssyncadd.s32 s4;
	_ =	sdelay $0x1  }
0xa1: {  	s23 =	simm.s32 $0x1B8B  }
0xa2: {  	_ =	swait.ge [sflag:s23], $0x1  }
0xa3: {  	[sflag:s23] =	ssyncset.done $0x0  }
0xa4: {  	s25 =	simm.s32 $0x1B8E;
	s24 =	sld [smem:$0x3FFE];
	[sflag:s23] =	ssyncadd.s32 $0xFFFFFFFF  }
0xa5: {  	s26 =	simm.s32 $execute0_lowered;
	[smem:$0x3FD2] =	sst s25  }
0xa6: {  	s5 =	sshll.u32 s26, $0x1;
	_ =	strace $0x80000046;
	[dreg:$0x1] =	wrdreg $0xFFFFFFFF  }
0xa7: {  	s28 =	simm.s32 $_size_execute0_lowered;
	s3 =	sadd.s32 s3, s5;
	[dreg:$0x0] =	wrdreg $0x0  }
0xa8: {  	s5 =	sshll.u32 s28, $0x1;
	[dreg:$0x2] =	wrdreg s3  }
0xa9: {  	[dreg:$0x3] =	wrdreg s5  }
0xaa: {  	[dreg:$0x4] =	wrdreg $0xC0  }
0xab: {  	_ =	task [dreg:s7], $0x5FFFF  }
0xac: {  	[dreg:$0x1] =	wrdreg $0xFFFFFFFF  }
0xad: {  	[dreg:$0x0] =	wrdreg $0x60  }
0xae: {  	[dreg:$0x2] =	wrdreg s2  }
0xaf: {  	[dreg:$0x3] =	wrdreg s24  }
0xb0: {  	[dreg:$0x4] =	wrdreg $0x28800  }
0xb1: {  	[dreg:$0x5] =	wrdreg $0x9  }
0xb2: {  	_ =	task.clear_ibuf [dreg:s7], $0x6FFFF;
	_ =	strace $0x90000046  }
0xb3: {  	s29 =	simm.s32 $0x9;
	_ =	strace $0x80000048  }
0xb4: {  	_ =	swait.ge [sflag:s29], $0x1  }
0xb5: {  	[sflag:s29] =	ssyncadd.s32 $0xFFFFFFFF  }
0xb6: {  	_ =	strace $0x90000048  }
0xb7: {  	_ =	sfence  }
0xb8: {  	s30 =	sld [smem:$0x0];
	_ =	sdelay $0x2  }
0xb9: {  	s31 =	sshll.u32 s1, $0xD;
	s1 =	sshrl.u32 s1, $0x2  }
0xba: {  	s3 =	sand.u32 $0x4000, s31;
	s1 =	sadd.s32 s1, s30  }
0xbb: {  	s0 =	sor.u32 s3, s0;
	s1 =	sshll.u32 s1, $0x11  }
0xbc: {  	s0 =	sor.u32 s1, s0  }
0xbd: {  	s0 =	sadd.s32 $0x8F2B, s0  }
0xbe: {  	[sflag:s0] =	ssyncadd.remote.s32 $0x1  }
0xbf: {  	_ =	sfence.sel $0xFFFF  }
0xc0: {  	[dreg:$0x0] =	wrdreg $0xFFFFFFFF;
	(pc) =	sbr.abs _section_cstart, $3  }
0xc1: {  	[dreg:$0x1] =	wrdreg $0xFFFFFFFF  }
0xc2: {  	_ =	task.clear_ibuf [dreg:s7], $0x2FFFF;
	_ =	strace $0x9FFFFFFF  }
0xc3: {  	(tm) =	ssettm $0x7FFFFFFF  }
tec
execute0_lowered:
.L_overlay_start_1:
0x0: {  	(tag) =	ssettag $0x1  }
0x1: {  	s6 =	rddreg [dreg:$0x0]  }
0x2: {  	s4 =	rddreg [dreg:$0x1];
	s0 =	stileid.u32  }
0x3: {  	s1 =	srdreg.scid;
	s2 =	rddreg [dreg:$0x2];
	s3 =	simm.s32 $0x0  }
0x4: {  	s13 =	simm.s32 $0x1;
	s7 =	sand.u32 $0x1, s1;
	s1 =	rddreg [dreg:$0x3]  }
0x5: {  	s14 =	simm.s32 $0x0;
	s5 =	smul.u32 $0x280, s0;
	[smem:$0x7FF] =	sst s3  }
0x6: {  	s11 =	sshll.u32 s0, $0x1;
	s31 =	sshll.u32 s0, $0x6;
	s8 =	smul.u32 $0x2800, s7  }
0x7: {  	_ =	strace $0x80000047;
	s10 =	ssub.s32 $0x2, s7;
	s7 =	sor.u32 s7, s11  }
0x8: {  	s11 =	simm.s32 $0x80;
	s9 =	sshrl.u32 s5, $0x3;
	s30 =	sshrl.u32 s10, $0x1  }
0x9: {  	s7 =	smul.u32 $0x500, s7;
	s12 =	sadd.s32 s5, s2;
	s8 =	sadd.s32 s5, s8  }
0xa: {  	s9 =	sadd.s32 s9, s4;
	s10 =	ssub.s32 s10, s30;
	s8 =	sshrl.u32 s8, $0x3  }
0xb: {  	s5 =	sor.u32 $0x1C02, s31;
	s6 =	sadd.s32 s6, s7;
	s8 =	sadd.s32 s8, s4  }
0xc: {  	s4 =	sadd.s32 $0xB000, s9;
	s9 =	sshrl.u32 s12, $0x3;
	s12 =	simm.s32 $0x2800  }
0xd: {  	v0 =	vimm.f32 $1.000000000e+00;
	s7 =	sadd.s32 $0xB600, s8;
	s8 =	smax.u32 s10, $0x1;
	s10 =	simm.s32 $0x2  }
.LBB2_1:
0xe: {  	[spmem:s9], [sflag:s5] =	dma.local [hbm:s4], $0x50  }
0xf: {  	_ =	swait.ge [sflag:s10], $0x50  }
0x10: {  	[sflag:s10] =	ssyncset.done $0x0  }
0x11: {  	[sflag:s10] =	ssyncadd.s32 $0xFFFFFFB0  }
0x12: {  	[tilespmem:$0x2800] =	vst v0  }
0x13: {  	[tilespmem:$0x2810] =	vst v0  }
0x14: {  	[tilespmem:$0x2820] =	vst v0  }
0x15: {  	[tilespmem:$0x2830] =	vst v0  }
0x16: {  	[tilespmem:$0x2840] =	vst v0  }
0x17: {  	[tilespmem:$0x2850] =	vst v0  }
0x18: {  	[tilespmem:$0x2860] =	vst v0  }
0x19: {  	[tilespmem:$0x2870] =	vst v0  }
0x1a: {  	[tilespmem:s3], [sflag:$0x2] =	stream.linear.gather [hbm4b:s6+s3], $0x2800, $0x38;
	[tilespmem:$0x2B00] =	vst v63  }
0x1b: {  	_ =	swait.ge [sflag:s10], $0x2800  }
0x1c: {  	[sflag:s10] =	ssyncset.done $0x0  }
0x1d: {  	[sflag:s10] =	ssyncadd.s32 $0xFFFFD800  }
0x1e: {  	[bflag:$0x0] =	sbarrier.arrive $0xFFFF  }
0x1f: {  	[spmem:s2] =	stream.indirect.scatter.add.f32 [tilespmem:s12], [sflag:$0x1], $0x1, s3, s11, $0xb8;
	[tilespmem:$0x2B00] =	vst v63  }
0x20: {  	_ = 	snop  }
0x21: {  	[spmem:s2] =	stream.indirect.scatter.add.f32 [tilespmem:s12], [sflag:$0x1], $0x1, s11, s11, $0xb8;
	[tilespmem:$0x2B00] =	vst v63  }
0x22: {  	s15 =	simm.s32 $0x100  }
0x23: {  	[spmem:s2] =	stream.indirect.scatter.add.f32 [tilespmem:s12], [sflag:$0x1], $0x1, s15, s11, $0xb8;
	[tilespmem:$0x2B00] =	vst v63  }
0x24: {  	_ =	swait.ge [sflag:s13], $0x80  }
0x25: {  	s15 =	simm.s32 $0x600;
	[sflag:s13] =	ssyncset.done $0x0  }
.LBB2_2:
0x26: {  	s16 =	sshra.s32 s15, $0x2;
	[sflag:s13] =	ssyncadd.s32 $0xFFFFFF80;
	p0 =	sne.s32 s15, $0x9E00  }
0x27: {  	[spmem:s2] =	stream.indirect.scatter.add.f32 [tilespmem:s12], [sflag:$0x1], $0x1, s16, s11, $0xb8;
	[tilespmem:$0x2B00] =	vst v63  }
.Ltmp0:
0x28: {  	_ = 	snop;
	(pc) =	sbr.rel @p0 .LBB2_2-.Ltmp0, $4  }
0x29: {  	_ = 	snop  }
0x2a: {  	s15 =	sadd.s32 $0x200, s15  }
0x2b: {  	_ =	swait.ge [sflag:s13], $0x80  }
0x2c: {  	[sflag:s13] =	ssyncset.done $0x0  }
0x2d: {  	[sflag:s13] =	ssyncadd.s32 $0xFFFFFF80  }
0x2e: {  	_ =	swait.ge [sflag:s13], $0x80  }
0x2f: {  	[sflag:s13] =	ssyncset.done $0x0  }
0x30: {  	[sflag:s13] =	ssyncadd.s32 $0xFFFFFF80  }
0x31: {  	_ =	swait.ge [sflag:s13], $0x80  }
0x32: {  	s14 =	sadd.s32 $0x1, s14;
	[sflag:s13] =	ssyncset.done $0x0  }
0x33: {  	p0 =	sne.s32 s14, s8;
	[sflag:s13] =	ssyncadd.s32 $0xFFFFFF80  }
.Ltmp1:
0x34: {  	[bflag:$0x0] =	sbarrier.arrive $0xFFFF;
	(pc) =	sbr.rel @p0 .LBB2_1-.Ltmp1, $4  }
0x35: {  	[hbm:s7], [sflag:s5] =	dma.local [spmem:s9], $0x50  }
0x36: {  	_ =	swait.ge [sflag:s10], $0x50  }
0x37: {  	[sflag:s10] =	ssyncset.done $0x0  }
0x38: {  	[sflag:s10] =	ssyncadd.s32 $0xFFFFFFB0  }
0x39: {  	_ =	sfence.sel $0x180000  }
0x3a: {  	[bflag:$0x0] =	sbarrier.arrive $0xFFFF  }
0x3b: {  	p0 =	sne.s32 s0, $0x0;
	_ =	strace $0x90000047  }
0x3c: {  	s0 =	sadd.s32 @!p0 $0x100000, s1;
	[bflag:$0x2] =	sbarrier.arrive $0xFFFF  }
0x3d: {  	[sflag:s0] =	ssyncadd.tile.s32 @!p0 $0x1;
	_ =	shalt  }
.Lfunc_end2:
_tile_overlayer_lowered:
.L_overlay_start_2:
0x3e: {  	(tag) =	ssettag $0x2  }
0x3f: {  	s0 =	rddreg [dreg:$0x0];
	s2 =	stileid.u32  }
0x40: {  	s1 =	rddreg [dreg:$0x1];
	p0 =	sne.s32 s2, $0x0  }
0x41: {  	s3 =	rddreg [dreg:$0x2];
	[bflag:$0x3] =	sbarrier.arrive $0xFFFF;
	s2 =	simm.s32 @!p0 $0x1C02  }
0x42: {  	[timem:s3], [sflag:s2] =	dma.local @!p0 [hbm:s0], s1  }
0x43: {  	s0 =	simm.s32 @!p0 $0x2  }
0x44: {  	_ =	swait.ge @!p0 [sflag:s0], s1  }
0x45: {  	s1 =	ssub.s32 @!p0 $0x0, s1;
	[sflag:s0] =	ssyncset.done @!p0 $0x0  }
0x46: {  	[sflag:s0] =	ssyncadd.s32 @!p0 s1  }
0x47: {  	[bflag:$0x3] =	sbarrier.arrive $0xFFFF  }
0x48: {  	_ =	shalt  }

// kernel: kernel.9.cloned.1.call-start
scs
__scs_entry_jumppad:
0x0: {  	(pc) =	sbr.rel $0x88, $3  }
0x1: {  	(tag) =	ssettag $0x0;
	lr =	simm.s32 $0x1  }
0x2: {  	[smem:$0x3F9D] =	sst lr;
	_ =	strace $0xD0000000  }
0x3: {  	_ = 	snop  }
0x4: {  	_ = 	snop  }
0x5: {  	_ = 	snop  }
0x6: {  	_ = 	snop  }
0x7: {  	_ = 	snop  }
__scs_overlays_trampoline_lowered:
0x8: {  	[smem:$0x3FAC] =	sst s0  }
0x9: {  	[smem:$0x3FAD] =	sst s1  }
0xa: {  	[smem:$0x3FAE] =	sst s2  }
0xb: {  	[smem:$0x3FAF] =	sst s3  }
0xc: {  	[smem:$0x3FB0] =	sst s4  }
0xd: {  	[smem:$0x3FB1] =	sst s5  }
0xe: {  	[smem:$0x3FB2] =	sst s6  }
0xf: {  	[smem:$0x3FB3] =	sst s7  }
0x10: {  	[smem:$0x3FB4] =	sst s8  }
0x11: {  	[smem:$0x3FB5] =	sst s9;
	s0 =	simm.s32 @!p0 $0x0  }
0x12: {  	s1 =	sld [smem:$0x3F9B];
	s0 =	simm.s32 @p0 $0x1  }
0x13: {  	[smem:$0x3FB6] =	sst s0;
	s0 =	simm.s32 @!p1 $0x0  }
0x14: {  	s2 =	sld [smem:$0x3F9A];
	s0 =	simm.s32 @p1 $0x1  }
0x15: {  	[smem:$0x3FB7] =	sst s0;
	s0 =	simm.s32 @!p2 $0x0  }
0x16: {  	s3 =	sld [smem:$0x3FDB];
	s0 =	simm.s32 @p2 $0x1  }
0x17: {  	s4 =	simm.s32 $0x1BF5;
	[smem:$0x3FB9] =	sst s0  }
0x18: {  	s0 =	sld [smem:$0x3F9C];
	_ =	swait.ge [sflag:s4], $0x0  }
0x19: {  	s7 =	sld [smem:$0x3F9D]  }
0x1a: {  	s8 =	sadd.s32 $0xFFFFE003, lr  }
0x1b: {  	s9 =	sadd.s32 $0xFFFFFEF7, lr;
	s5 =	simm.s32 $0xFFFFFFFF;
	p2 =	slt.u32 s8, $0xFFFFF086  }
0x1c: {  	p1 =	slt.u32 s9, $0xF7A;
	s5 =	simm.s32 @!p2 $0x0  }
0x1d: {  	s5 =	simm.s32 @p1 $0x1;
	p0 =	seq.s32 s7, s2  }
0x1e: {  	s7 =	smul.u32 @!p0 $0xF7A, s2;
	p2 =	seq.s32 @!p0 s5, $0x0  }
0x1f: {  	s9 =	smul.u32 $0xF7A, s1;
	s8 =	simm.s32 @!p0 $0x1BF5;
	p2 =	por !p2, p0  }
0x20: {  	[sflag:s8] =	ssyncset.s32 @!p0 $0xFFFFF086;
	s6 =	sadd.s32 @!p0 s3, s7;
	s7 =	simm.s32 @!p0 $0x108  }
0x21: {  	s3 =	sadd.s32 s3, s9;
	s6 =	sadd.s32 @!p0 $0x88, s6;
	s7 =	simm.s32 @p2 $0x1082  }
0x22: {  	[simem:s7], [sflag:s8] =	dma.local @!p0 [hbm:s6], $0xF7A  }
0x23: {  	s9 =	sor.u32 $0xD0000000, s2;
	s6 =	simm.s32 $0x108;
	_ =	swait.ge @!p0 [sflag:s8], $0x0  }
0x24: {  	s3 =	sadd.s32 $0x88, s3;
	s6 =	simm.s32 @!p1 $0x1082;
	[sflag:s4] =	ssyncset.s32 $0xFFFFF086  }
0x25: {  	[simem:s6], [sflag:s4] =	dma.local [hbm:s3], $0xF7A  }
0x26: {  	[smem:$0x3F9D] =	sst s1;
	(tag) =	ssettag s2;
	_ =	strace s9  }
0x27: {  	s1 =	sld [smem:$0x3FAD]  }
0x28: {  	s2 =	sld [smem:$0x3FAE]  }
0x29: {  	s4 =	sld [smem:$0x3FB0]  }
0x2a: {  	p0 =	seq.s32 s5, $0x0;
	s5 =	sld [smem:$0x3FB1]  }
0x2b: {  	s6 =	sld [smem:$0x3FB2]  }
0x2c: {  	s7 =	sld [smem:$0x3FB3]  }
0x2d: {  	s3 =	simm.s32 $0x108;
	s8 =	sld [smem:$0x3FB4]  }
0x2e: {  	s3 =	simm.s32 @!p0 $0x1082;
	s9 =	sld [smem:$0x3FB5]  }
0x2f: {  	lr =	sadd.s32 s0, s3;
	s0 =	sld [smem:$0x3FAC]  }
0x30: {  	s3 =	sld [smem:$0x3FAF]  }
0x31: {  	[smem:$0x3FB8] =	sst s10  }
0x32: {  	s10 =	sld [smem:$0x3FB6];
	_ =	sdelay $0x3  }
0x33: {  	p0 =	seq.s32 s10, $0x1;
	s10 =	sld [smem:$0x3FB8];
	_ =	sdelay $0x3  }
0x34: {  	[smem:$0x3FB8] =	sst s10  }
0x35: {  	s10 =	sld [smem:$0x3FB7];
	_ =	sdelay $0x3  }
0x36: {  	p1 =	seq.s32 s10, $0x1;
	s10 =	sld [smem:$0x3FB8];
	_ =	sdelay $0x3  }
0x37: {  	[smem:$0x3FB8] =	sst s10  }
0x38: {  	s10 =	sld [smem:$0x3FB9]  }
0x39: {  	_ = 	snop;
	(pc) =	sbr.ind lr, $3  }
0x3a: {  	_ = 	snop  }
0x3b: {  	_ = 	snop  }
0x3c: {  	p2 =	seq.s32 s10, $0x1;
	s10 =	sld [smem:$0x3FB8]  }
0x3d: {  	_ =	shalt  }
0x3e: {  	_ =	shalt  }
0x3f: {  	_ =	shalt  }
0x40: {  	_ =	shalt  }
0x41: {  	_ =	shalt  }
0x42: {  	_ =	shalt  }
0x43: {  	_ =	shalt  }
0x44: {  	_ =	shalt  }
0x45: {  	_ =	shalt  }
0x46: {  	_ =	shalt  }
0x47: {  	_ =	shalt  }
0x48: {  	_ =	shalt  }
0x49: {  	_ =	shalt  }
0x4a: {  	_ =	shalt  }
0x4b: {  	_ =	shalt  }
0x4c: {  	_ =	shalt  }
0x4d: {  	_ =	shalt  }
0x4e: {  	_ =	shalt  }
0x4f: {  	_ =	shalt  }
0x50: {  	_ =	shalt  }
0x51: {  	_ =	shalt  }
0x52: {  	_ =	shalt  }
0x53: {  	_ =	shalt  }
0x54: {  	_ =	shalt  }
0x55: {  	_ =	shalt  }
0x56: {  	_ =	shalt  }
0x57: {  	_ =	shalt  }
0x58: {  	_ =	shalt  }
0x59: {  	_ =	shalt  }
0x5a: {  	_ =	shalt  }
0x5b: {  	_ =	shalt  }
0x5c: {  	_ =	shalt  }
0x5d: {  	_ =	shalt  }
0x5e: {  	_ =	shalt  }
0x5f: {  	_ =	shalt  }
0x60: {  	_ =	shalt  }
0x61: {  	_ =	shalt  }
0x62: {  	_ =	shalt  }
0x63: {  	_ =	shalt  }
0x64: {  	_ =	shalt  }
0x65: {  	_ =	shalt  }
0x66: {  	_ =	shalt  }
0x67: {  	_ =	shalt  }
0x68: {  	_ =	shalt  }
0x69: {  	_ =	shalt  }
0x6a: {  	_ =	shalt  }
0x6b: {  	_ =	shalt  }
0x6c: {  	_ =	shalt  }
0x6d: {  	_ =	shalt  }
0x6e: {  	_ =	shalt  }
0x6f: {  	_ =	shalt  }
0x70: {  	_ =	shalt  }
0x71: {  	_ =	shalt  }
0x72: {  	_ =	shalt  }
0x73: {  	_ =	shalt  }
0x74: {  	_ =	shalt  }
0x75: {  	_ =	shalt  }
0x76: {  	_ =	shalt  }
0x77: {  	_ =	shalt  }
0x78: {  	_ =	shalt  }
0x79: {  	_ =	shalt  }
0x7a: {  	_ =	shalt  }
0x7b: {  	_ =	shalt  }
0x7c: {  	_ =	shalt  }
0x7d: {  	_ =	shalt  }
0x7e: {  	_ =	shalt  }
0x7f: {  	_ =	shalt  }
0x80: {  	_ =	shalt  }
0x81: {  	_ =	shalt  }
0x82: {  	_ =	shalt  }
0x83: {  	_ =	shalt  }
0x84: {  	_ =	shalt  }
0x85: {  	_ =	shalt  }
0x86: {  	_ =	shalt  }
0x87: {  	_ =	shalt  }
.Lfunc_end0:
.L_simem_size_0:
called_computation.1_lowered:
.L_overlay_start_0:
0x88: {  	s2 =	sld [smem:$0x3FD9]  }
0x89: {  	s3 =	sld [smem:$0x3FFE];
	_ =	sdelay $0x1  }
0x8a: {  	s1 =	srdreg.scid  }
0x8b: {  	s0 =	sand.u32 $0x1, s1  }
0x8c: {  	s17 =	sshll.u32 s0, $0xA;
	s2 =	sadd.s32 s3, s2  }
0x8d: {  	s2 =	sadd.s32 s2, s17  }
0x8e: {  	[smem:$0x3FC4] =	sst s2  }
0x8f: {  	_ = 	snop  }
0x90: {  	s2 =	sld [smem:$0x3FD0];
	(tm) =	ssettm $0x1  }
0x91: {  	s18 =	sld [smem:$0x3FFB];
	_ =	sdelay $0x3  }
0x92: {  	_ =	strace s18  }
0x93: {  	s3 =	sld [smem:$0x3FFC];
	_ =	sdelay $0x3  }
0x94: {  	_ =	strace s3  }
0x95: {  	s3 =	sld [smem:$0x3FFD];
	_ =	sdelay $0x3  }
0x96: {  	_ =	strace s3  }
0x97: {  	_ =	strace $0x8FFFFFFF  }
0x98: {  	s19 =	sld [smem:$0x3FDB];
	_ =	sdelay $0x1  }
0x99: {  	s4 =	simm.s32 $_scs_section_size  }
0x9a: {  	s5 =	simm.s32 $_size__tile_overlayer_lowered;
	s6 =	simm.s32 $_tile_overlayer_lowered  }
0x9b: {  	s22 =	simm.s32 $0x1BFF;
	s21 =	sshll.u32 s6, $0x1;
	s3 =	sadd.s32 s4, s19  }
0x9c: {  	s7 =	simm.s32 $0x0;
	s20 =	sshll.u32 s5, $0x1;
	s5 =	sadd.s32 s21, s3  }
0x9d: {  	[timem:s7], [sflag:s22] =	dma.local [hbm:s5], s20  }
0x9e: {  	_ =	swait.ge [sflag:s22], s20  }
0x9f: {  	s4 =	ssub.s32 $0x0, s20;
	[sflag:s22] =	ssyncset.done $0x0  }
0xa0: {  	[sflag:s22] =	ssyncadd.s32 s4;
	_ =	sdelay $0x1  }
0xa1: {  	s23 =	simm.s32 $0x1B8B  }
0xa2: {  	_ =	swait.ge [sflag:s23], $0x1  }
0xa3: {  	[sflag:s23] =	ssyncset.done $0x0  }
0xa4: {  	s25 =	simm.s32 $0x1B8E;
	s24 =	sld [smem:$0x3FFE];
	[sflag:s23] =	ssyncadd.s32 $0xFFFFFFFF  }
0xa5: {  	s26 =	simm.s32 $execute0_lowered;
	[smem:$0x3FD2] =	sst s25  }
0xa6: {  	s5 =	sshll.u32 s26, $0x1;
	_ =	strace $0x80000049;
	[dreg:$0x1] =	wrdreg $0xFFFFFFFF  }
0xa7: {  	s28 =	simm.s32 $_size_execute0_lowered;
	s3 =	sadd.s32 s3, s5;
	[dreg:$0x0] =	wrdreg $0x0  }
0xa8: {  	s5 =	sshll.u32 s28, $0x1;
	[dreg:$0x2] =	wrdreg s3  }
0xa9: {  	[dreg:$0x3] =	wrdreg s5  }
0xaa: {  	[dreg:$0x4] =	wrdreg $0xC0  }
0xab: {  	_ =	task [dreg:s7], $0x5FFFF  }
0xac: {  	[dreg:$0x1] =	wrdreg $0xFFFFFFFF  }
0xad: {  	[dreg:$0x0] =	wrdreg $0x60  }
0xae: {  	[dreg:$0x2] =	wrdreg s2  }
0xaf: {  	[dreg:$0x3] =	wrdreg s24  }
0xb0: {  	[dreg:$0x4] =	wrdreg $0xE0000  }
0xb1: {  	[dreg:$0x5] =	wrdreg $0x130000  }
0xb2: {  	[dreg:$0x6] =	wrdreg $0x9  }
0xb3: {  	_ =	task.clear_ibuf [dreg:s7], $0x7FFFF;
	_ =	strace $0x90000049  }
0xb4: {  	s29 =	simm.s32 $0x9;
	_ =	strace $0x8000004B  }
0xb5: {  	_ =	swait.ge [sflag:s29], $0x1  }
0xb6: {  	[sflag:s29] =	ssyncadd.s32 $0xFFFFFFFF  }
0xb7: {  	_ =	strace $0x9000004B  }
0xb8: {  	_ =	sfence  }
0xb9: {  	s30 =	sld [smem:$0x0];
	_ =	sdelay $0x2  }
0xba: {  	s31 =	sshll.u32 s1, $0xD;
	s1 =	sshrl.u32 s1, $0x2  }
0xbb: {  	s3 =	sand.u32 $0x4000, s31;
	s1 =	sadd.s32 s1, s30  }
0xbc: {  	s0 =	sor.u32 s3, s0;
	s1 =	sshll.u32 s1, $0x11  }
0xbd: {  	s0 =	sor.u32 s1, s0  }
0xbe: {  	s0 =	sadd.s32 $0x8F2B, s0  }
0xbf: {  	[sflag:s0] =	ssyncadd.remote.s32 $0x1  }
0xc0: {  	_ =	sfence.sel $0xFFFF  }
0xc1: {  	[dreg:$0x0] =	wrdreg $0xFFFFFFFF;
	(pc) =	sbr.abs _section_cstart, $3  }
0xc2: {  	[dreg:$0x1] =	wrdreg $0xFFFFFFFF  }
0xc3: {  	_ =	task.clear_ibuf [dreg:s7], $0x2FFFF;
	_ =	strace $0x9FFFFFFF  }
0xc4: {  	(tm) =	ssettm $0x7FFFFFFF  }
0xc5: {  	_ =	shalt  }
tec
execute0_lowered:
.L_overlay_start_1:
0x0: {  	(tag) =	ssettag $0x1  }
0x1: {  	s0 =	rddreg [dreg:$0x0]  }
0x2: {  	s1 =	rddreg [dreg:$0x1]  }
0x3: {  	s2 =	rddreg [dreg:$0x2]  }
0x4: {  	s3 =	rddreg [dreg:$0x3];
	s14 =	stileid.u32;
	s4 =	simm.s32 $0x0  }
0x5: {  	s7 =	srdreg.scid;
	s15 =	simm.s32 $0x8;
	s16 =	simm.s32 $0x9  }
0x6: {  	s18 =	simm.s32 $0x5000;
	s19 =	simm.s32 $0x80;
	s20 =	simm.s32 $0xA000  }
0x7: {  	s28 =	simm.s32 $0xD000;
	s29 =	simm.s32 $0x3;
	s5 =	smul.u32 $0xA00, s14  }
0x8: {  	s31 =	simm.s32 $0x5;
	s30 =	simm.s32 $0x0;
	s6 =	smul.u32 $0xA000, s14  }
0x9: {  	[smem:$0x7FF] =	sst s4;
	s7 =	sand.u32 $0x1, s7;
	s8 =	smul.u32 $0x14000, s14  }
0xa: {  	s25 =	sshll.u32 s14, $0x6;
	s14 =	simm.s32 $0x4;
	_ =	strace $0x8000004A  }
0xb: {  	s9 =	sshll.u32 s7, $0x6;
	s7 =	ssub.s32 $0x2, s7;
	s10 =	sadd.s32 s5, s1  }
0xc: {  	s21 =	sshrl.u32 s6, $0x4;
	s8 =	sor.u32 s9, s8;
	s24 =	sshrl.u32 s7, $0x1  }
0xd: {  	s11 =	sshrl.u32 s6, $0x1;
	s6 =	sor.u32 $0x1C09, s25;
	s22 =	sadd.s32 s21, s1  }
0xe: {  	s23 =	sshrl.u32 s8, $0x4;
	s12 =	ssub.s32 s7, s24;
	s13 =	sadd.s32 s11, s2  }
0xf: {  	s26 =	sadd.s32 s11, s3;
	s8 =	sadd.s32 $0x16000, s10;
	s9 =	sadd.s32 $0x1000, s10  }
.Ltmp0:
0x10: {  	s21 =	simm.s32 $0xB000;
	s24 =	simm.s32 $0x2;
	(pc) =	sbr.rel .LBB2_1-.Ltmp0, $4  }
0x11: {  	s1 =	sadd.s32 s23, s1;
	s0 =	sadd.s32 s0, s23;
	s7 =	sadd.s32 $0xC000, s22  }
0x12: {  	s11 =	smax.u32 s12, $0x1;
	s12 =	sshrl.u32 s13, $0x3;
	s13 =	simm.s32 $0x1  }
0x13: {  	s17 =	sshrl.u32 s26, $0x3;
	s23 =	simm.s32 $0xC000;
	s22 =	simm.s32 $0x6  }
0x14: {  	s26 =	simm.s32 $0x7;
	[dreg:$0x5] =	wrdreg s0;
	s10 =	sadd.s32 $0x20000, s1  }
.LBB2_4:
0x15: {  	_ =	swait.ge [sflag:s14], $0x1000  }
0x16: {  	[sflag:s14] =	ssyncset.done $0x0  }
0x17: {  	[sflag:s14] =	ssyncadd.s32 $0xFFFFF000  }
0x18: {  	[spmem:s3] =	stream.indirect.scatter.add.bf16 [tilespmem:s28], [sflag:$0x8], $0x20, s25, s19, $0xb8;
	[tilespmem:$0x18000] =	vst v63  }
0x19: {  	_ =	swait.ge [sflag:s22], $0x1000  }
0x1a: {  	[sflag:s22] =	ssyncset.done $0x0  }
0x1b: {  	[sflag:s22] =	ssyncadd.s32 $0xFFFFF000  }
0x1c: {  	_ =	swait.ge [sflag:s26], $0x1000  }
0x1d: {  	[sflag:s26] =	ssyncset.done $0x0  }
0x1e: {  	[sflag:s26] =	ssyncadd.s32 $0xFFFFF000  }
0x1f: {  	_ =	swait.ge [sflag:s15], $0x1000  }
0x20: {  	s30 =	sadd.s32 $0x1, s30;
	[sflag:s15] =	ssyncset.done $0x0  }
0x21: {  	p0 =	sne.s32 s30, s11;
	[sflag:s15] =	ssyncadd.s32 $0xFFFFF000  }
.Ltmp1:
0x22: {  	[bflag:$0x0] =	sbarrier.arrive $0xFFFF;
	(pc) =	sbr.rel @!p0 .LBB2_5-.Ltmp1, $4  }
0x23: {  	[hbm:s10@s15], [sflag:s6] =	dma.strided [spmem:s17@s14], $0xA00, s13, $0x4   }
0x24: {  	_ =	swait.ge [sflag:s16], $0xA00  }
0x25: {  	[sflag:s16] =	ssyncset.done $0x0  }
0x26: {  	[sflag:s16] =	ssyncadd.s32 $0xFFFFF600  }
.LBB2_1:
0x27: {  	s0 =	rddreg [dreg:$0x5]  }
0x28: {  	[spmem:s12@s14], [sflag:s6] =	dma.strided [hbm:s0@s15], $0xA00, s13, $0x4   }
0x29: {  	_ =	swait.ge [sflag:s16], $0xA00  }
0x2a: {  	[sflag:s16] =	ssyncset.done $0x0  }
0x2b: {  	[sflag:s16] =	ssyncadd.s32 $0xFFFFF600  }
0x2c: {  	[spmem:s17], [sflag:s6] =	dma.local [hbm:s7], $0xA00  }
0x2d: {  	_ =	swait.ge [sflag:s16], $0xA00  }
0x2e: {  	[sflag:s16] =	ssyncset.done $0x0  }
0x2f: {  	[sflag:s16] =	ssyncadd.s32 $0xFFFFF600  }
0x30: {  	[bflag:$0x0] =	sbarrier.arrive $0xFFFF  }
0x31: {  	[tilespmem:s4], [sflag:$0x9] =	stream.linear.gather [hbm4b:s8+s4], $0x5000, $0x38;
	[tilespmem:$0x18000] =	vst v63  }
0x32: {  	_ =	swait.ge [sflag:s16], $0x5000  }
0x33: {  	[sflag:s16] =	ssyncset.done $0x0  }
0x34: {  	[sflag:s16] =	ssyncadd.s32 $0xFFFFB000  }
0x35: {  	[tilespmem:s18], [sflag:$0x9] =	stream.linear.gather [hbm4b:s9+s4], $0x5000, $0x38;
	[tilespmem:$0x18000] =	vst v63  }
0x36: {  	_ =	swait.ge [sflag:s16], $0x5000  }
0x37: {  	[sflag:s16] =	ssyncset.done $0x0  }
0x38: {  	[sflag:s16] =	ssyncadd.s32 $0xFFFFB000  }
0x39: {  	[tilespmem:s20], [sflag:$0x1] =	stream.indirect.gather [spmem:s2], $0x20, s4, s19, $0xb8;
	[tilespmem:$0x18000] =	vst v63  }
0x3a: {  	_ = 	snop  }
0x3b: {  	[tilespmem:s21], [sflag:$0x2] =	stream.indirect.gather [spmem:s2], $0x20, s19, s19, $0xb8;
	[tilespmem:$0x18000] =	vst v63  }
0x3c: {  	_ =	swait.ge [sflag:s13], $0x1000  }
0x3d: {  	[sflag:s13] =	ssyncset.done $0x0  }
0x3e: {  	[sflag:s13] =	ssyncadd.s32 $0xFFFFF000  }
0x3f: {  	[spmem:s3] =	stream.indirect.scatter.add.bf16 [tilespmem:s20], [sflag:$0x5], $0x20, s18, s19, $0xb8;
	[tilespmem:$0x18000] =	vst v63  }
0x40: {  	s25 =	simm.s32 $0x100  }
0x41: {  	[tilespmem:s23], [sflag:$0x3] =	stream.indirect.gather [spmem:s2], $0x20, s25, s19, $0xb8;
	[tilespmem:$0x18000] =	vst v63  }
0x42: {  	_ =	swait.ge [sflag:s24], $0x1000  }
0x43: {  	[sflag:s24] =	ssyncset.done $0x0  }
0x44: {  	s1 =	simm.s32 $0x5080;
	[sflag:s24] =	ssyncadd.s32 $0xFFFFF000  }
0x45: {  	[spmem:s3] =	stream.indirect.scatter.add.bf16 [tilespmem:s21], [sflag:$0x6], $0x20, s1, s19, $0xb8;
	[tilespmem:$0x18000] =	vst v63  }
0x46: {  	s5 =	simm.s32 $0x180  }
0x47: {  	[tilespmem:s28], [sflag:$0x4] =	stream.indirect.gather [spmem:s2], $0x20, s5, s19, $0xb8;
	[tilespmem:$0x18000] =	vst v63  }
0x48: {  	_ =	swait.ge [sflag:s29], $0x1000  }
0x49: {  	[sflag:s29] =	ssyncset.done $0x0  }
0x4a: {  	s25 =	simm.s32 $0x5100;
	[sflag:s29] =	ssyncadd.s32 $0xFFFFF000  }
0x4b: {  	[spmem:s3] =	stream.indirect.scatter.add.bf16 [tilespmem:s23], [sflag:$0x7], $0x20, s25, s19, $0xb8;
	[tilespmem:$0x18000] =	vst v63  }
0x4c: {  	_ =	swait.ge [sflag:s31], $0x1000  }
0x4d: {  	[sflag:s31] =	ssyncset.done $0x0  }
0x4e: {  	s1 =	simm.s32 $0x200;
	[sflag:s31] =	ssyncadd.s32 $0xFFFFF000  }
0x4f: {  	[tilespmem:s20], [sflag:$0x1] =	stream.indirect.gather [spmem:s2], $0x20, s1, s19, $0xb8;
	[tilespmem:$0x18000] =	vst v63  }
0x50: {  	_ =	swait.ge [sflag:s14], $0x1000  }
0x51: {  	[sflag:s14] =	ssyncset.done $0x0  }
0x52: {  	s5 =	simm.s32 $0x5180;
	[sflag:s14] =	ssyncadd.s32 $0xFFFFF000  }
0x53: {  	[spmem:s3] =	stream.indirect.scatter.add.bf16 [tilespmem:s28], [sflag:$0x8], $0x20, s5, s19, $0xb8;
	[tilespmem:$0x18000] =	vst v63  }
0x54: {  	_ =	swait.ge [sflag:s22], $0x1000  }
0x55: {  	[sflag:s22] =	ssyncset.done $0x0  }
0x56: {  	s0 =	simm.s32 $0x0;
	s25 =	simm.s32 $0x280;
	[sflag:s22] =	ssyncadd.s32 $0xFFFFF000  }
0x57: {  	[tilespmem:s21], [sflag:$0x2] =	stream.indirect.gather [spmem:s2], $0x20, s25, s19, $0xb8;
	[tilespmem:$0x18000] =	vst v63  }
.LBB2_2:
0x58: {  	_ =	swait.ge [sflag:s13], $0x1000  }
0x59: {  	s1 =	sshra.s32 s0, $0x2;
	[sflag:s13] =	ssyncset.done $0x0  }
0x5a: {  	s25 =	sadd.s32 $0x5200, s1;
	[sflag:s13] =	ssyncadd.s32 $0xFFFFF000  }
0x5b: {  	[spmem:s3] =	stream.indirect.scatter.add.bf16 [tilespmem:s20], [sflag:$0x5], $0x20, s25, s19, $0xb8;
	[tilespmem:$0x18000] =	vst v63  }
0x5c: {  	_ =	swait.ge [sflag:s26], $0x1000  }
0x5d: {  	[sflag:s26] =	ssyncset.done $0x0  }
0x5e: {  	s5 =	sadd.s32 $0x300, s1;
	[sflag:s26] =	ssyncadd.s32 $0xFFFFF000  }
0x5f: {  	[tilespmem:s23], [sflag:$0x3] =	stream.indirect.gather [spmem:s2], $0x20, s5, s19, $0xb8;
	[tilespmem:$0x18000] =	vst v63  }
0x60: {  	_ =	swait.ge [sflag:s24], $0x1000  }
0x61: {  	[sflag:s24] =	ssyncset.done $0x0  }
0x62: {  	s5 =	sadd.s32 $0x5280, s1;
	[sflag:s24] =	ssyncadd.s32 $0xFFFFF000  }
0x63: {  	[spmem:s3] =	stream.indirect.scatter.add.bf16 [tilespmem:s21], [sflag:$0x6], $0x20, s5, s19, $0xb8;
	[tilespmem:$0x18000] =	vst v63  }
0x64: {  	_ =	swait.ge [sflag:s15], $0x1000  }
0x65: {  	[sflag:s15] =	ssyncset.done $0x0  }
0x66: {  	s5 =	sadd.s32 $0x380, s1;
	[sflag:s15] =	ssyncadd.s32 $0xFFFFF000  }
0x67: {  	[tilespmem:s28], [sflag:$0x4] =	stream.indirect.gather [spmem:s2], $0x20, s5, s19, $0xb8;
	[tilespmem:$0x18000] =	vst v63  }
0x68: {  	_ =	swait.ge [sflag:s29], $0x1000  }
0x69: {  	p0 =	seq.s32 s0, $0x13000;
	[sflag:s29] =	ssyncset.done $0x0  }
.Ltmp2:
0x6a: {  	s5 =	sadd.s32 $0x5300, s1;
	[sflag:s29] =	ssyncadd.s32 $0xFFFFF000;
	(pc) =	sbr.rel @p0 .LBB2_4-.Ltmp2, $4  }
0x6b: {  	[spmem:s3] =	stream.indirect.scatter.add.bf16 [tilespmem:s23], [sflag:$0x7], $0x20, s5, s19, $0xb8;
	[tilespmem:$0x18000] =	vst v63  }
0x6c: {  	_ =	swait.ge [sflag:s31], $0x1000  }
0x6d: {  	[sflag:s31] =	ssyncset.done $0x0  }
0x6e: {  	s25 =	sadd.s32 $0x5380, s1;
	[sflag:s31] =	ssyncadd.s32 $0xFFFFF000  }
0x6f: {  	s5 =	sadd.s32 $0x400, s1  }
0x70: {  	[tilespmem:s20], [sflag:$0x1] =	stream.indirect.gather [spmem:s2], $0x20, s5, s19, $0xb8;
	[tilespmem:$0x18000] =	vst v63  }
0x71: {  	_ =	swait.ge [sflag:s14], $0x1000  }
0x72: {  	[sflag:s14] =	ssyncset.done $0x0  }
0x73: {  	[sflag:s14] =	ssyncadd.s32 $0xFFFFF000  }
0x74: {  	[spmem:s3] =	stream.indirect.scatter.add.bf16 [tilespmem:s28], [sflag:$0x8], $0x20, s25, s19, $0xb8;
	[tilespmem:$0x18000] =	vst v63  }
.Ltmp3:
0x75: {  	_ = 	snop;
	(pc) =	sbr.rel .LBB2_2-.Ltmp3, $4  }
0x76: {  	_ =	swait.ge [sflag:s22], $0x1000  }
0x77: {  	[sflag:s22] =	ssyncset.done $0x0  }
0x78: {  	s0 =	sadd.s32 $0x800, s0;
	s25 =	sadd.s32 $0x480, s1;
	[sflag:s22] =	ssyncadd.s32 $0xFFFFF000  }
0x79: {  	[tilespmem:s21], [sflag:$0x2] =	stream.indirect.gather [spmem:s2], $0x20, s25, s19, $0xb8;
	[tilespmem:$0x18000] =	vst v63  }
.LBB2_5:
0x7a: {  	_ =	sfence.sel $0x180000  }
0x7b: {  	[bflag:$0x0] =	sbarrier.arrive $0xFFFF  }
0x7c: {  	_ =	strace $0x9000004A  }
0x7d: {  	s0 =	stileid.u32;
	[bflag:$0x2] =	sbarrier.arrive $0xFFFF  }
0x7e: {  	p0 =	sne.s32 s0, $0x0;
	s0 =	rddreg [dreg:$0x4]  }
0x7f: {  	s0 =	sadd.s32 @!p0 $0x100000, s0  }
0x80: {  	[sflag:s0] =	ssyncadd.tile.s32 @!p0 $0x1;
	_ =	shalt  }
.Lfunc_end2:
_tile_overlayer_lowered:
.L_overlay_start_2:
0x81: {  	(tag) =	ssettag $0x2  }
0x82: {  	s0 =	rddreg [dreg:$0x0];
	s2 =	stileid.u32  }
0x83: {  	s1 =	rddreg [dreg:$0x1];
	p0 =	sne.s32 s2, $0x0  }
0x84: {  	s3 =	rddreg [dreg:$0x2];
	[bflag:$0x3] =	sbarrier.arrive $0xFFFF;
	s2 =	simm.s32 @!p0 $0x1C09  }
0x85: {  	[timem:s3], [sflag:s2] =	dma.local @!p0 [hbm:s0], s1  }
0x86: {  	s0 =	simm.s32 @!p0 $0x9  }
0x87: {  	_ =	swait.ge @!p0 [sflag:s0], s1  }
0x88: {  	s1 =	ssub.s32 @!p0 $0x0, s1;
	[sflag:s0] =	ssyncset.done @!p0 $0x0  }
0x89: {  	[sflag:s0] =	ssyncadd.s32 @!p0 s1  }
0x8a: {  	[bflag:$0x3] =	sbarrier.arrive $0xFFFF  }
0x8b: {  	_ =	shalt  }

</sc_bundles>
